<compile_context>
chip_gen: v7x
topology: tpu7x:2x2x1
jax: 0.10.2.dev20260603
libtpu: 0.0.44.dev20260713+nightly
codegen_flags: <defaults>
</compile_context>

<pallas_src>
import functools

import jax
import jax.numpy as jnp
import numpy as np
from jax import lax
from jax.experimental import pallas as pl
from jax.experimental.pallas import tpu as pltpu
from jax.experimental.pallas import tpu_sc as plsc

NE = 65536
NN = 4096
DUMMY = NN
NR = 4104
NT = 32
TPW = (2 * NE) // NT
CH = 128
NCH = TPW // CH

_TINY = float(np.finfo(np.float32).tiny)
_M = 16384.0


def _threefry_xor_bits(idx):
    k0 = jnp.int32(0)
    k1 = jnp.int32(42)
    k2 = jnp.int32(0 ^ 42 ^ 0x1BD11BDA)
    ks = [k0, k1, k2]
    rot = [[13, 15, 26, 6], [17, 29, 16, 24]]

    def rotl(x, r):
        return lax.shift_left(x, jnp.int32(r)) | lax.shift_right_logical(
            x, jnp.int32(32 - r))

    x0 = jnp.zeros_like(idx) + ks[0]
    x1 = idx + ks[1]
    for i in range(5):
        for r in rot[i % 2]:
            x0 = x0 + x1
            x1 = rotl(x1, r)
            x1 = x1 ^ x0
        x0 = x0 + ks[(i + 1) % 3]
        x1 = x1 + ks[(i + 2) % 3] + jnp.int32(i + 1)
    return x0 ^ x1


def _gumbel_from_idx(idx):
    bits = _threefry_xor_bits(idx)
    fb = lax.shift_right_logical(bits, jnp.int32(9)) | jnp.int32(0x3F800000)
    u = lax.bitcast_convert_type(fb, jnp.float32) - jnp.float32(1.0)
    u = jnp.maximum(jnp.float32(_TINY),
                    u * jnp.float32(1.0 - _TINY) + jnp.float32(_TINY))
    return -jnp.log(-jnp.log(u))


def _sample_body(l0_ref, l1_ref, src_ref, dst_ref, x_ref, g_ref, s_ref,
                 xp_ref):
    rows, cols = l0_ref.shape
    r = lax.broadcasted_iota(jnp.int32, (rows, cols), 0)
    c = lax.broadcasted_iota(jnp.int32, (rows, cols), 1)
    i = r * cols + c
    g0 = _gumbel_from_idx(2 * i)
    g1 = _gumbel_from_idx(2 * i + 1)
    l0 = l0_ref[...]
    l1 = l1_ref[...]
    m = jnp.maximum(l0, l1)
    e0 = jnp.exp(l0 - m)
    e1 = jnp.exp(l1 - m)
    s = e0 + e1
    z0 = jnp.log(e0 / s + jnp.float32(1e-20))
    z1 = jnp.log(e1 / s + jnp.float32(1e-20))
    keep = (z1 + g1) > (z0 + g0)
    src = src_ref[...]
    dst = dst_ref[...]
    g_ref[0:rows, :] = dst
    g_ref[rows:2 * rows, :] = src
    s_ref[0:rows, :] = jnp.where(keep, src, jnp.int32(DUMMY))
    s_ref[rows:2 * rows, :] = jnp.where(keep, dst, jnp.int32(DUMMY))
    x = x_ref[...]
    lane = lax.broadcasted_iota(jnp.int32, x.shape, 1)
    xp_ref[...] = jnp.where(lane == 0, x + jnp.float32(_M), x)


@functools.lru_cache(maxsize=None)
def _make_sc_agg():
    D = 128
    mesh = plsc.VectorSubcoreMesh(core_axis_name="c", subcore_axis_name="s")
    zrows = NN // 16

    @functools.partial(
        pl.kernel,
        mesh=mesh,
        out_type=jax.ShapeDtypeStruct((2, NR, D), jnp.float32),
        scratch_types=[
            pltpu.VMEM((NCH, CH), jnp.int32),
            pltpu.VMEM((NCH, CH), jnp.int32),
            pltpu.VMEM((CH, D), jnp.float32),
            pltpu.VMEM((CH, D), jnp.float32),
            pltpu.VMEM((zrows, D), jnp.float32),
            pltpu.VMEM_SHARED((NR, D), jnp.float32),
            pltpu.SemaphoreType.DMA,
            pltpu.SemaphoreType.DMA,
        ],
    )
    def agg(table_h, gidx_h, sidx_h, out_h, gall_v, sall_v, rows0_v, rows1_v,
            zbuf_v, accum_s, sem0, sem1):
        cid = lax.axis_index("c")
        sid = lax.axis_index("s")
        wid = cid * 16 + sid

        pltpu.async_copy(gidx_h.at[wid], gall_v, sem0)
        pltpu.async_copy(sidx_h.at[wid], sall_v, sem1)

        def zrow(rr, _):
            for j in range(D // 16):
                zbuf_v[rr, pl.ds(j * 16, 16)] = jnp.zeros((16,), jnp.float32)
            return 0

        lax.fori_loop(0, zrows, zrow, 0)
        pltpu.make_async_copy(gidx_h.at[wid], gall_v, sem0).wait()
        pltpu.make_async_copy(sidx_h.at[wid], sall_v, sem1).wait()

        def gather(g, rbuf, sem):
            pltpu.async_copy(table_h.at[gall_v.at[g]], rbuf, sem)

        def drain_scatter(g, rbuf, sem):
            pltpu.make_async_copy(table_h.at[gall_v.at[g]], rbuf, sem).wait()
            pltpu.sync_copy(rbuf, accum_s.at[sall_v.at[g]], add=True)

        gather(0, rows0_v, sem0)
        gather(1, rows1_v, sem1)
        pltpu.sync_copy(zbuf_v, accum_s.at[pl.ds(sid * zrows, zrows)])
        plsc.subcore_barrier()

        def body2(j, _):
            g0 = 2 * j
            drain_scatter(g0, rows0_v, sem0)

            @pl.when(g0 + 2 < NCH)
            def _():
                gather(g0 + 2, rows0_v, sem0)

            drain_scatter(g0 + 1, rows1_v, sem1)

            @pl.when(g0 + 3 < NCH)
            def _():
                gather(g0 + 3, rows1_v, sem1)

            return 0

        lax.fori_loop(0, NCH // 2, body2, 0)
        plsc.subcore_barrier()
        pltpu.sync_copy(accum_s.at[pl.ds(sid * zrows, zrows)],
                        out_h.at[cid, pl.ds(sid * zrows, zrows)])

    return agg


def _dense1_body(p2_ref, x_ref, w1_ref, b1_ref, h_ref, deg_ref):
    psum = p2_ref[0:NN, :] + p2_ref[NR:NR + NN, :]
    col0 = psum[:, 0:1]
    cnt = jnp.floor(col0 * jnp.float32(1.0 / _M) + jnp.float32(0.5))
    sx0 = col0 - cnt * jnp.float32(_M)
    deg = cnt + jnp.float32(1.0)
    tot = psum + x_ref[...]
    lane = lax.broadcasted_iota(jnp.int32, tot.shape, 1)
    tot = jnp.where(lane == 0, sx0 + x_ref[:, 0:1], tot)
    norm = tot / deg
    h = jnp.dot(norm, w1_ref[...], preferred_element_type=jnp.float32)
    h_ref[...] = jnp.maximum(h + b1_ref[...], jnp.float32(0.0))
    deg_ref[...] = deg


def _dense2_body(q2_ref, h_ref, deg_ref, w2_ref, b2_ref, y_ref, loss_ref):
    tot = q2_ref[0:NN, :] + q2_ref[NR:NR + NN, :] + h_ref[...]
    norm = tot / deg_ref[...]
    ly = jnp.dot(norm, w2_ref[...], preferred_element_type=jnp.float32)
    ly = ly + b2_ref[...]
    m = jnp.max(ly, axis=1, keepdims=True)
    lse = m + jnp.log(jnp.sum(jnp.exp(ly - m), axis=1, keepdims=True))
    logp = ly - lse
    cls = lax.broadcasted_iota(jnp.int32, ly.shape, 1)
    picked = jnp.where(cls == y_ref[...], logp, jnp.float32(0.0))
    loss_ref[...] = (-jnp.sum(picked) / jnp.float32(NN)).reshape(1, 1)


def kernel(X, logit_E, Y, src, dst, W1, b1, W2, b2):
    l0 = logit_E[:, 0].reshape(512, 128)
    l1 = logit_E[:, 1].reshape(512, 128)
    srcb = src.astype(jnp.int32).reshape(512, 128)
    dstb = dst.astype(jnp.int32).reshape(512, 128)

    g_all, s_all, Xp = pl.pallas_call(
        _sample_body,
        out_shape=[
            jax.ShapeDtypeStruct((1024, 128), jnp.int32),
            jax.ShapeDtypeStruct((1024, 128), jnp.int32),
            jax.ShapeDtypeStruct((NN, 128), jnp.float32),
        ],
    )(l0, l1, srcb, dstb, X)

    g_idx = g_all.reshape(NT, NCH, CH)
    s_idx = s_all.reshape(NT, NCH, CH)

    p = _make_sc_agg()(Xp, g_idx, s_idx)

    h, deg = pl.pallas_call(
        _dense1_body,
        out_shape=[
            jax.ShapeDtypeStruct((NN, 128), jnp.float32),
            jax.ShapeDtypeStruct((NN, 1), jnp.float32),
        ],
    )(p.reshape(2 * NR, 128), X, W1, b1.reshape(1, 128))

    q = _make_sc_agg()(h, g_idx, s_idx)

    loss = pl.pallas_call(
        _dense2_body,
        out_shape=jax.ShapeDtypeStruct((1, 1), jnp.float32),
    )(q.reshape(2 * NR, 128), h, deg, W2, b2.reshape(1, 16),
      Y.astype(jnp.int32).reshape(NN, 1))

    return loss[0, 0]

# --- scband reference (transcript-rebuilt; emitter-appended) ---
"""Pipeline reference for scband-loss-y-wout-x-19396072308965 (READ-ONLY COPY).

The authoritative reference and input builder live on the scoring server;
editing this copy changes nothing except your own understanding.
"""

import jax, jax.numpy as jnp
import numpy as np


def setup_inputs(seed: int = 0) -> dict:
    key = jax.random.key(seed)
    ks = jax.random.split(key, 9)
    X = jax.random.normal(ks[0], (4096, 128), dtype=jnp.float32)
    logit_E = jax.random.normal(ks[1], (65536, 2), dtype=jnp.float32)
    Y = jax.random.randint(ks[2], (4096,), 0, 16)
    src = jax.random.randint(ks[3], (65536,), 0, 4096)
    dst = jax.random.randint(ks[4], (65536,), 0, 4096)
    W1 = jax.random.normal(ks[5], (128, 128), dtype=jnp.float32) * 0.05
    b1 = jnp.zeros((128,), dtype=jnp.float32)
    W2 = jax.random.normal(ks[6], (128, 16), dtype=jnp.float32) * 0.05
    b2 = jnp.zeros((16,), dtype=jnp.float32)
    return {"X": X, "logit_E": logit_E, "Y": Y, "src": src, "dst": dst,
            "W1": W1, "b1": b1, "W2": W2, "b2": b2}


def _classifier(X, E_index, W1, b1, W2, b2):
    # Simple 2-layer mean-aggregation GCN acting as the `classifier` module.
    s = E_index[0]
    d = E_index[1]
    N = X.shape[0]
    deg = jnp.zeros((N,), dtype=X.dtype).at[d].add(1.0)
    deg = jnp.clip(deg, 1.0, None)[:, None]
    agg = jnp.zeros_like(X).at[d].add(jnp.take(X, s, axis=0))
    h = jax.nn.relu((agg / deg) @ W1 + b1)
    agg2 = jnp.zeros_like(h).at[d].add(jnp.take(h, s, axis=0))
    logit_Y = (agg2 / deg) @ W2 + b2
    return logit_Y


def reference(X, logit_E, Y, src, dst, W1, b1, W2, b2):
    num_nodes = X.shape[0]
    # softmax + multinomial(1) == categorical sampling on the logits
    probs = jax.nn.softmax(logit_E, axis=-1)
    E_ = jax.random.categorical(jax.random.key(42), jnp.log(probs + 1e-20), axis=-1)
    E_ = E_.astype(jnp.int32)
    E = jnp.zeros((num_nodes, num_nodes), dtype=jnp.int32)
    E = E.at[dst, src].set(E_)
    E = E.at[src, dst].set(E_)
    E = E + jnp.eye(num_nodes, dtype=jnp.int32)
    max_nnz = 2 * logit_E.shape[0] + num_nodes
    rows, cols = jnp.nonzero(E, size=max_nnz, fill_value=num_nodes)
    E_index = jnp.stack([rows, cols], axis=0)
    logit_Y = _classifier(X, E_index, W1, b1, W2, b2)
    logp = jax.nn.log_softmax(logit_Y, axis=-1)
    loss_Y = -jnp.mean(jnp.take_along_axis(logp, Y[:, None], axis=1))
    return loss_Y

if __name__ == "__main__":
    import jax
    _d = setup_inputs()
    print(jax.jit(kernel)(*tuple(_d.values())))

</pallas_src>

<mosaic_0001>
#map = affine_map<(d0, d1) -> (0, 0)>
#map1 = affine_map<(d0, d1) -> (0, 0, 0)>
module attributes {stable_mosaic.version = 14 : i64} {
  func.func @agg(%arg0: i32, %arg1: i32, %arg2: memref<4096x128xf32, #tpu.memory_space<hbm>>, %arg3: memref<32x32x128xi32, #tpu.memory_space<hbm>>, %arg4: memref<32x32x128xi32, #tpu.memory_space<hbm>>, %arg5: memref<2x4104x128xf32, #tpu.memory_space<hbm>>, %arg6: memref<32x128xi32, #tpu.memory_space<vmem>>, %arg7: memref<32x128xi32, #tpu.memory_space<vmem>>, %arg8: memref<128x128xf32, #tpu.memory_space<vmem>>, %arg9: memref<128x128xf32, #tpu.memory_space<vmem>>, %arg10: memref<256x128xf32, #tpu.memory_space<vmem>>, %arg11: memref<4104x128xf32, #tpu.memory_space<vmem_shared>>, %arg12: memref<!tpu.dma_semaphore, #tpu.memory_space<semaphore_mem>>, %arg13: memref<!tpu.dma_semaphore, #tpu.memory_space<semaphore_mem>>) attributes {dimension_semantics = [#tpu.dimension_semantics<core_parallel>, #tpu.dimension_semantics<subcore_parallel>], iteration_bounds = array<i64: 2, 16>, scalar_prefetch = 0 : i64, scratch_operands = 8 : i64, tpu.core_type = #tpu.core_type<sc_vector_subcore>, window_params = [{transform_indices = #map}, {transform_indices = #map1}, {transform_indices = #map1}, {transform_indices = #map1}]} {
    %mul3A = arith.constant 16 : i32
    %mul3A_0 = arith.muli %arg0, %mul3A : i32
    %add3A = arith.addi %mul3A_0, %arg1 : i32
    %dma_start3A = arith.constant 0 : i32
    %dma_start3A_1 = arith.constant 0 : i32
    %dma_start3A_2 = tpu.memref_slice %arg3[%add3A, %dma_start3A, %dma_start3A_1] : memref<32x32x128xi32, #tpu.memory_space<hbm>> -> memref<1x32x128xi32, #tpu.memory_space<hbm>>
    %dma_start3A_3 = tpu.memref_squeeze %dma_start3A_2 : memref<1x32x128xi32, #tpu.memory_space<hbm>> -> memref<32x128xi32, #tpu.memory_space<hbm>>
    %dma_start3A_4 = arith.constant 0 : i32
    %dma_start3A_5 = arith.constant 0 : i32
    %dma_start3A_6 = tpu.memref_slice %arg3[%add3A, %dma_start3A_4, %dma_start3A_5] : memref<32x32x128xi32, #tpu.memory_space<hbm>> -> memref<1x32x128xi32, #tpu.memory_space<hbm>>
    %dma_start3A_7 = tpu.memref_squeeze %dma_start3A_6 : memref<1x32x128xi32, #tpu.memory_space<hbm>> -> memref<32x128xi32, #tpu.memory_space<hbm>>
    tpu.enqueue_dma source(%dma_start3A_7 : memref<32x128xi32, #tpu.memory_space<hbm>>) target(%arg6 : memref<32x128xi32, #tpu.memory_space<vmem>>) target_semaphore(%arg12 : memref<!tpu.dma_semaphore, #tpu.memory_space<semaphore_mem>>)
    %dma_start3A_8 = arith.constant 0 : i32
    %dma_start3A_9 = arith.constant 0 : i32
    %dma_start3A_10 = tpu.memref_slice %arg4[%add3A, %dma_start3A_8, %dma_start3A_9] : memref<32x32x128xi32, #tpu.memory_space<hbm>> -> memref<1x32x128xi32, #tpu.memory_space<hbm>>
    %dma_start3A_11 = tpu.memref_squeeze %dma_start3A_10 : memref<1x32x128xi32, #tpu.memory_space<hbm>> -> memref<32x128xi32, #tpu.memory_space<hbm>>
    %dma_start3A_12 = arith.constant 0 : i32
    %dma_start3A_13 = arith.constant 0 : i32
    %dma_start3A_14 = tpu.memref_slice %arg4[%add3A, %dma_start3A_12, %dma_start3A_13] : memref<32x32x128xi32, #tpu.memory_space<hbm>> -> memref<1x32x128xi32, #tpu.memory_space<hbm>>
    %dma_start3A_15 = tpu.memref_squeeze %dma_start3A_14 : memref<1x32x128xi32, #tpu.memory_space<hbm>> -> memref<32x128xi32, #tpu.memory_space<hbm>>
    tpu.enqueue_dma source(%dma_start3A_15 : memref<32x128xi32, #tpu.memory_space<hbm>>) target(%arg7 : memref<32x128xi32, #tpu.memory_space<vmem>>) target_semaphore(%arg13 : memref<!tpu.dma_semaphore, #tpu.memory_space<semaphore_mem>>)
    %scan3A = arith.constant 0 : i32
    %scan3A_16 = arith.constant 0 : i32
    %scan3A_17 = arith.constant 256 : i32
    %scan3A_18 = arith.addi %scan3A_16, %scan3A_17 : i32
    %scan3A_19 = arith.constant 1 : i32
    %scan3A_20 = scf.for %scan3A_65 = %scan3A_16 to %scan3A_18 step %scan3A_19 iter_args(%scan3A_66 = %scan3A) -> (i32)  : i32 {
      %broadcast_in_dim3A = arith.constant 0.000000e+00 : f32
      %broadcast_in_dim3A_67 = vector.broadcast %broadcast_in_dim3A : f32 to vector<16xf32>
      %swap3A = arith.index_cast %scan3A_65 : i32 to index
      %swap3A_68 = arith.constant 0 : index
      %swap3A_69 = tpu.vector_load %arg10[%swap3A, %swap3A_68] {strides = array<i32>} : memref<256x128xf32, #tpu.memory_space<vmem>>, vector<1x16xf32>,
      %swap3A_70 = vector.shape_cast %swap3A_69 : vector<1x16xf32> to vector<16xf32>
      %swap3A_71 = vector.shape_cast %broadcast_in_dim3A_67 : vector<16xf32> to vector<1x16xf32>
      tpu.vector_store %arg10[%swap3A, %swap3A_68], %swap3A_71 {strides = array<i32>} : memref<256x128xf32, #tpu.memory_space<vmem>>, vector<1x16xf32>,
      %broadcast_in_dim3A_72 = arith.constant 0.000000e+00 : f32
      %broadcast_in_dim3A_73 = vector.broadcast %broadcast_in_dim3A_72 : f32 to vector<16xf32>
      %swap3A_74 = arith.index_cast %scan3A_65 : i32 to index
      %swap3A_75 = arith.constant 16 : index
      %swap3A_76 = tpu.vector_load %arg10[%swap3A_74, %swap3A_75] {strides = array<i32>} : memref<256x128xf32, #tpu.memory_space<vmem>>, vector<1x16xf32>,
      %swap3A_77 = vector.shape_cast %swap3A_76 : vector<1x16xf32> to vector<16xf32>
      %swap3A_78 = vector.shape_cast %broadcast_in_dim3A_73 : vector<16xf32> to vector<1x16xf32>
      tpu.vector_store %arg10[%swap3A_74, %swap3A_75], %swap3A_78 {strides = array<i32>} : memref<256x128xf32, #tpu.memory_space<vmem>>, vector<1x16xf32>,
      %broadcast_in_dim3A_79 = arith.constant 0.000000e+00 : f32
      %broadcast_in_dim3A_80 = vector.broadcast %broadcast_in_dim3A_79 : f32 to vector<16xf32>
      %swap3A_81 = arith.index_cast %scan3A_65 : i32 to index
      %swap3A_82 = arith.constant 32 : index
      %swap3A_83 = tpu.vector_load %arg10[%swap3A_81, %swap3A_82] {strides = array<i32>} : memref<256x128xf32, #tpu.memory_space<vmem>>, vector<1x16xf32>,
      %swap3A_84 = vector.shape_cast %swap3A_83 : vector<1x16xf32> to vector<16xf32>
      %swap3A_85 = vector.shape_cast %broadcast_in_dim3A_80 : vector<16xf32> to vector<1x16xf32>
      tpu.vector_store %arg10[%swap3A_81, %swap3A_82], %swap3A_85 {strides = array<i32>} : memref<256x128xf32, #tpu.memory_space<vmem>>, vector<1x16xf32>,
      %broadcast_in_dim3A_86 = arith.constant 0.000000e+00 : f32
      %broadcast_in_dim3A_87 = vector.broadcast %broadcast_in_dim3A_86 : f32 to vector<16xf32>
      %swap3A_88 = arith.index_cast %scan3A_65 : i32 to index
      %swap3A_89 = arith.constant 48 : index
      %swap3A_90 = tpu.vector_load %arg10[%swap3A_88, %swap3A_89] {strides = array<i32>} : memref<256x128xf32, #tpu.memory_space<vmem>>, vector<1x16xf32>,
      %swap3A_91 = vector.shape_cast %swap3A_90 : vector<1x16xf32> to vector<16xf32>
      %swap3A_92 = vector.shape_cast %broadcast_in_dim3A_87 : vector<16xf32> to vector<1x16xf32>
      tpu.vector_store %arg10[%swap3A_88, %swap3A_89], %swap3A_92 {strides = array<i32>} : memref<256x128xf32, #tpu.memory_space<vmem>>, vector<1x16xf32>,
      %broadcast_in_dim3A_93 = arith.constant 0.000000e+00 : f32
      %broadcast_in_dim3A_94 = vector.broadcast %broadcast_in_dim3A_93 : f32 to vector<16xf32>
      %swap3A_95 = arith.index_cast %scan3A_65 : i32 to index
      %swap3A_96 = arith.constant 64 : index
      %swap3A_97 = tpu.vector_load %arg10[%swap3A_95, %swap3A_96] {strides = array<i32>} : memref<256x128xf32, #tpu.memory_space<vmem>>, vector<1x16xf32>,
      %swap3A_98 = vector.shape_cast %swap3A_97 : vector<1x16xf32> to vector<16xf32>
      %swap3A_99 = vector.shape_cast %broadcast_in_dim3A_94 : vector<16xf32> to vector<1x16xf32>
      tpu.vector_store %arg10[%swap3A_95, %swap3A_96], %swap3A_99 {strides = array<i32>} : memref<256x128xf32, #tpu.memory_space<vmem>>, vector<1x16xf32>,
      %broadcast_in_dim3A_100 = arith.constant 0.000000e+00 : f32
      %broadcast_in_dim3A_101 = vector.broadcast %broadcast_in_dim3A_100 : f32 to vector<16xf32>
      %swap3A_102 = arith.index_cast %scan3A_65 : i32 to index
      %swap3A_103 = arith.constant 80 : index
      %swap3A_104 = tpu.vector_load %arg10[%swap3A_102, %swap3A_103] {strides = array<i32>} : memref<256x128xf32, #tpu.memory_space<vmem>>, vector<1x16xf32>,
      %swap3A_105 = vector.shape_cast %swap3A_104 : vector<1x16xf32> to vector<16xf32>
      %swap3A_106 = vector.shape_cast %broadcast_in_dim3A_101 : vector<16xf32> to vector<1x16xf32>
      tpu.vector_store %arg10[%swap3A_102, %swap3A_103], %swap3A_106 {strides = array<i32>} : memref<256x128xf32, #tpu.memory_space<vmem>>, vector<1x16xf32>,
      %broadcast_in_dim3A_107 = arith.constant 0.000000e+00 : f32
      %broadcast_in_dim3A_108 = vector.broadcast %broadcast_in_dim3A_107 : f32 to vector<16xf32>
      %swap3A_109 = arith.index_cast %scan3A_65 : i32 to index
      %swap3A_110 = arith.constant 96 : index
      %swap3A_111 = tpu.vector_load %arg10[%swap3A_109, %swap3A_110] {strides = array<i32>} : memref<256x128xf32, #tpu.memory_space<vmem>>, vector<1x16xf32>,
      %swap3A_112 = vector.shape_cast %swap3A_111 : vector<1x16xf32> to vector<16xf32>
      %swap3A_113 = vector.shape_cast %broadcast_in_dim3A_108 : vector<16xf32> to vector<1x16xf32>
      tpu.vector_store %arg10[%swap3A_109, %swap3A_110], %swap3A_113 {strides = array<i32>} : memref<256x128xf32, #tpu.memory_space<vmem>>, vector<1x16xf32>,
      %broadcast_in_dim3A_114 = arith.constant 0.000000e+00 : f32
      %broadcast_in_dim3A_115 = vector.broadcast %broadcast_in_dim3A_114 : f32 to vector<16xf32>
      %swap3A_116 = arith.index_cast %scan3A_65 : i32 to index
      %swap3A_117 = arith.constant 112 : index
      %swap3A_118 = tpu.vector_load %arg10[%swap3A_116, %swap3A_117] {strides = array<i32>} : memref<256x128xf32, #tpu.memory_space<vmem>>, vector<1x16xf32>,
      %swap3A_119 = vector.shape_cast %swap3A_118 : vector<1x16xf32> to vector<16xf32>
      %swap3A_120 = vector.shape_cast %broadcast_in_dim3A_115 : vector<16xf32> to vector<1x16xf32>
      tpu.vector_store %arg10[%swap3A_116, %swap3A_117], %swap3A_120 {strides = array<i32>} : memref<256x128xf32, #tpu.memory_space<vmem>>, vector<1x16xf32>,
      %scan3A_121 = arith.constant 0 : i32
      scf.yield %scan3A_121 : i32
    }
    %scan3A_21 = arith.constant 256 : i32
    %dma_wait3A = arith.constant 0 : i32
    %dma_wait3A_22 = arith.constant 0 : i32
    %dma_wait3A_23 = tpu.memref_slice %arg3[%add3A, %dma_wait3A, %dma_wait3A_22] : memref<32x32x128xi32, #tpu.memory_space<hbm>> -> memref<1x32x128xi32, #tpu.memory_space<hbm>>
    %dma_wait3A_24 = tpu.memref_squeeze %dma_wait3A_23 : memref<1x32x128xi32, #tpu.memory_space<hbm>> -> memref<32x128xi32, #tpu.memory_space<hbm>>
    %dma_wait3A_25 = arith.constant 0 : i32
    %dma_wait3A_26 = arith.constant 0 : i32
    %dma_wait3A_27 = tpu.memref_slice %arg3[%add3A, %dma_wait3A_25, %dma_wait3A_26] : memref<32x32x128xi32, #tpu.memory_space<hbm>> -> memref<1x32x128xi32, #tpu.memory_space<hbm>>
    %dma_wait3A_28 = tpu.memref_squeeze %dma_wait3A_27 : memref<1x32x128xi32, #tpu.memory_space<hbm>> -> memref<32x128xi32, #tpu.memory_space<hbm>>
    tpu.wait_dma2 semaphore(%arg12 : memref<!tpu.dma_semaphore, #tpu.memory_space<semaphore_mem>>) src(%dma_wait3A_28 : memref<32x128xi32, #tpu.memory_space<hbm>>) dst(%arg6 : memref<32x128xi32, #tpu.memory_space<vmem>>)
    %dma_wait3A_29 = arith.constant 0 : i32
    %dma_wait3A_30 = arith.constant 0 : i32
    %dma_wait3A_31 = tpu.memref_slice %arg4[%add3A, %dma_wait3A_29, %dma_wait3A_30] : memref<32x32x128xi32, #tpu.memory_space<hbm>> -> memref<1x32x128xi32, #tpu.memory_space<hbm>>
    %dma_wait3A_32 = tpu.memref_squeeze %dma_wait3A_31 : memref<1x32x128xi32, #tpu.memory_space<hbm>> -> memref<32x128xi32, #tpu.memory_space<hbm>>
    %dma_wait3A_33 = arith.constant 0 : i32
    %dma_wait3A_34 = arith.constant 0 : i32
    %dma_wait3A_35 = tpu.memref_slice %arg4[%add3A, %dma_wait3A_33, %dma_wait3A_34] : memref<32x32x128xi32, #tpu.memory_space<hbm>> -> memref<1x32x128xi32, #tpu.memory_space<hbm>>
    %dma_wait3A_36 = tpu.memref_squeeze %dma_wait3A_35 : memref<1x32x128xi32, #tpu.memory_space<hbm>> -> memref<32x128xi32, #tpu.memory_space<hbm>>
    tpu.wait_dma2 semaphore(%arg13 : memref<!tpu.dma_semaphore, #tpu.memory_space<semaphore_mem>>) src(%dma_wait3A_36 : memref<32x128xi32, #tpu.memory_space<hbm>>) dst(%arg7 : memref<32x128xi32, #tpu.memory_space<vmem>>)
    %dma_start3A_37 = arith.constant 0 : i32
    %dma_start3A_38 = arith.constant 0 : i32
    %dma_start3A_39 = tpu.memref_slice %arg6[%dma_start3A_37, %dma_start3A_38] : memref<32x128xi32, #tpu.memory_space<vmem>> -> memref<1x128xi32, #tpu.memory_space<vmem>>
    %dma_start3A_40 = tpu.memref_squeeze %dma_start3A_39 : memref<1x128xi32, #tpu.memory_space<vmem>> -> memref<128xi32, #tpu.memory_space<vmem>>
    %dma_start3A_41 = arith.constant 0 : i32
    %dma_start3A_42 = arith.constant 0 : i32
    %dma_start3A_43 = tpu.memref_slice %arg2[%dma_start3A_41, %dma_start3A_42] : memref<4096x128xf32, #tpu.memory_space<hbm>> -> memref<4096x128xf32, #tpu.memory_space<hbm>>
    tpu.enqueue_indirect_dma source(%dma_start3A_43 : memref<4096x128xf32, #tpu.memory_space<hbm>>) target(%arg8 : memref<128x128xf32, #tpu.memory_space<vmem>>) offsets(%dma_start3A_40 : memref<128xi32, #tpu.memory_space<vmem>>) semaphore(%arg12 : memref<!tpu.dma_semaphore, #tpu.memory_space<semaphore_mem>>)
    %dma_start3A_44 = arith.constant 1 : i32
    %dma_start3A_45 = arith.constant 0 : i32
    %dma_start3A_46 = tpu.memref_slice %arg6[%dma_start3A_44, %dma_start3A_45] : memref<32x128xi32, #tpu.memory_space<vmem>> -> memref<1x128xi32, #tpu.memory_space<vmem>>
    %dma_start3A_47 = tpu.memref_squeeze %dma_start3A_46 : memref<1x128xi32, #tpu.memory_space<vmem>> -> memref<128xi32, #tpu.memory_space<vmem>>
    %dma_start3A_48 = arith.constant 0 : i32
    %dma_start3A_49 = arith.constant 0 : i32
    %dma_start3A_50 = tpu.memref_slice %arg2[%dma_start3A_48, %dma_start3A_49] : memref<4096x128xf32, #tpu.memory_space<hbm>> -> memref<4096x128xf32, #tpu.memory_space<hbm>>
    tpu.enqueue_indirect_dma source(%dma_start3A_50 : memref<4096x128xf32, #tpu.memory_space<hbm>>) target(%arg9 : memref<128x128xf32, #tpu.memory_space<vmem>>) offsets(%dma_start3A_47 : memref<128xi32, #tpu.memory_space<vmem>>) semaphore(%arg13 : memref<!tpu.dma_semaphore, #tpu.memory_space<semaphore_mem>>)
    %mul3A_51 = arith.constant 256 : i32
    %mul3A_52 = arith.muli %arg1, %mul3A_51 : i32
    "tpu.region"() ({
      %run_scoped3A = tpu.sem_alloc : memref<!tpu.dma_semaphore, #tpu.memory_space<semaphore_mem>>
      %dma_start3A_65 = arith.constant 0 : i32
      %dma_start3A_66 = tpu.memref_slice %arg11[%mul3A_52, %dma_start3A_65] : memref<4104x128xf32, #tpu.memory_space<vmem_shared>> -> memref<256x128xf32, #tpu.memory_space<vmem_shared>>
      %dma_start3A_67 = arith.constant 0 : i32
      %dma_start3A_68 = tpu.memref_slice %arg11[%mul3A_52, %dma_start3A_67] : memref<4104x128xf32, #tpu.memory_space<vmem_shared>> -> memref<256x128xf32, #tpu.memory_space<vmem_shared>>
      tpu.enqueue_dma source(%arg10 : memref<256x128xf32, #tpu.memory_space<vmem>>) target(%dma_start3A_68 : memref<256x128xf32, #tpu.memory_space<vmem_shared>>) target_semaphore(%run_scoped3A : memref<!tpu.dma_semaphore, #tpu.memory_space<semaphore_mem>>)
      %dma_wait3A_69 = arith.constant 0 : i32
      %dma_wait3A_70 = tpu.memref_slice %arg11[%mul3A_52, %dma_wait3A_69] : memref<4104x128xf32, #tpu.memory_space<vmem_shared>> -> memref<256x128xf32, #tpu.memory_space<vmem_shared>>
      %dma_wait3A_71 = arith.constant 0 : i32
      %dma_wait3A_72 = tpu.memref_slice %arg11[%mul3A_52, %dma_wait3A_71] : memref<4104x128xf32, #tpu.memory_space<vmem_shared>> -> memref<256x128xf32, #tpu.memory_space<vmem_shared>>
      tpu.wait_dma2 semaphore(%run_scoped3A : memref<!tpu.dma_semaphore, #tpu.memory_space<semaphore_mem>>) src(%arg10 : memref<256x128xf32, #tpu.memory_space<vmem>>) dst(%dma_wait3A_72 : memref<256x128xf32, #tpu.memory_space<vmem_shared>>)
      tpu.yield
    }) : () -> ()
    %barrier3A = arith.constant 0 : index
    tpu.barrier barrier_id(%barrier3A)
    %scan3A_53 = arith.constant 0 : i32
    %scan3A_54 = arith.constant 0 : i32
    %scan3A_55 = arith.constant 16 : i32
    %scan3A_56 = arith.addi %scan3A_54, %scan3A_55 : i32
    %scan3A_57 = arith.constant 1 : i32
    %scan3A_58 = scf.for %scan3A_65 = %scan3A_54 to %scan3A_56 step %scan3A_57 iter_args(%scan3A_66 = %scan3A_53) -> (i32)  : i32 {
      %mul3A_67 = arith.constant 2 : i32
      %mul3A_68 = arith.muli %mul3A_67, %scan3A_65 : i32
      %dma_wait3A_69 = arith.constant 0 : i32
      %dma_wait3A_70 = tpu.memref_slice %arg6[%mul3A_68, %dma_wait3A_69] : memref<32x128xi32, #tpu.memory_space<vmem>> -> memref<1x128xi32, #tpu.memory_space<vmem>>
      %dma_wait3A_71 = tpu.memref_squeeze %dma_wait3A_70 : memref<1x128xi32, #tpu.memory_space<vmem>> -> memref<128xi32, #tpu.memory_space<vmem>>
      %dma_wait3A_72 = arith.constant 0 : i32
      %dma_wait3A_73 = arith.constant 0 : i32
      %dma_wait3A_74 = tpu.memref_slice %arg2[%dma_wait3A_72, %dma_wait3A_73] : memref<4096x128xf32, #tpu.memory_space<hbm>> -> memref<4096x128xf32, #tpu.memory_space<hbm>>
      tpu.wait_indirect_dma semaphore(%arg12 : memref<!tpu.dma_semaphore, #tpu.memory_space<semaphore_mem>>) src(%dma_wait3A_74 : memref<4096x128xf32, #tpu.memory_space<hbm>>) dst(%arg8 : memref<128x128xf32, #tpu.memory_space<vmem>>)
      "tpu.region"() ({
        %run_scoped3A = tpu.sem_alloc : memref<!tpu.dma_semaphore, #tpu.memory_space<semaphore_mem>>
        %dma_start3A_95 = arith.constant 0 : i32
        %dma_start3A_96 = tpu.memref_slice %arg7[%mul3A_68, %dma_start3A_95] : memref<32x128xi32, #tpu.memory_space<vmem>> -> memref<1x128xi32, #tpu.memory_space<vmem>>
        %dma_start3A_97 = tpu.memref_squeeze %dma_start3A_96 : memref<1x128xi32, #tpu.memory_space<vmem>> -> memref<128xi32, #tpu.memory_space<vmem>>
        %dma_start3A_98 = arith.constant 0 : i32
        %dma_start3A_99 = arith.constant 0 : i32
        %dma_start3A_100 = tpu.memref_slice %arg11[%dma_start3A_98, %dma_start3A_99] : memref<4104x128xf32, #tpu.memory_space<vmem_shared>> -> memref<4104x128xf32, #tpu.memory_space<vmem_shared>>
        tpu.enqueue_indirect_dma source(%arg8 : memref<128x128xf32, #tpu.memory_space<vmem>>) target(%dma_start3A_100 : memref<4104x128xf32, #tpu.memory_space<vmem_shared>>) offsets(%dma_start3A_97 : memref<128xi32, #tpu.memory_space<vmem>>) semaphore(%run_scoped3A : memref<!tpu.dma_semaphore, #tpu.memory_space<semaphore_mem>>) {add = true}
        %dma_wait3A_101 = arith.constant 0 : i32
        %dma_wait3A_102 = tpu.memref_slice %arg7[%mul3A_68, %dma_wait3A_101] : memref<32x128xi32, #tpu.memory_space<vmem>> -> memref<1x128xi32, #tpu.memory_space<vmem>>
        %dma_wait3A_103 = tpu.memref_squeeze %dma_wait3A_102 : memref<1x128xi32, #tpu.memory_space<vmem>> -> memref<128xi32, #tpu.memory_space<vmem>>
        %dma_wait3A_104 = arith.constant 0 : i32
        %dma_wait3A_105 = arith.constant 0 : i32
        %dma_wait3A_106 = tpu.memref_slice %arg11[%dma_wait3A_104, %dma_wait3A_105] : memref<4104x128xf32, #tpu.memory_space<vmem_shared>> -> memref<4104x128xf32, #tpu.memory_space<vmem_shared>>
        tpu.wait_indirect_dma semaphore(%run_scoped3A : memref<!tpu.dma_semaphore, #tpu.memory_space<semaphore_mem>>) src(%arg8 : memref<128x128xf32, #tpu.memory_space<vmem>>) dst(%dma_wait3A_106 : memref<4104x128xf32, #tpu.memory_space<vmem_shared>>)
        tpu.yield
      }) : () -> ()
      %add3A_75 = arith.constant 2 : i32
      %add3A_76 = arith.addi %mul3A_68, %add3A_75 : i32
      %lt3A = arith.constant 32 : i32
      %lt3A_77 = arith.cmpi slt, %add3A_76, %lt3A : i32
      %convert_element_type3A = arith.extui %lt3A_77 : i1 to i32
      %cond3A = arith.constant 0 : i32
      %cond3A_78 = arith.cmpi ne, %convert_element_type3A, %cond3A : i32
      scf.if %cond3A_78 {
        %add3A_95 = arith.constant 2 : i32
        %add3A_96 = arith.addi %mul3A_68, %add3A_95 : i32
        %dma_start3A_97 = arith.constant 0 : i32
        %dma_start3A_98 = tpu.memref_slice %arg6[%add3A_96, %dma_start3A_97] : memref<32x128xi32, #tpu.memory_space<vmem>> -> memref<1x128xi32, #tpu.memory_space<vmem>>
        %dma_start3A_99 = tpu.memref_squeeze %dma_start3A_98 : memref<1x128xi32, #tpu.memory_space<vmem>> -> memref<128xi32, #tpu.memory_space<vmem>>
        %dma_start3A_100 = arith.constant 0 : i32
        %dma_start3A_101 = arith.constant 0 : i32
        %dma_start3A_102 = tpu.memref_slice %arg2[%dma_start3A_100, %dma_start3A_101] : memref<4096x128xf32, #tpu.memory_space<hbm>> -> memref<4096x128xf32, #tpu.memory_space<hbm>>
        tpu.enqueue_indirect_dma source(%dma_start3A_102 : memref<4096x128xf32, #tpu.memory_space<hbm>>) target(%arg8 : memref<128x128xf32, #tpu.memory_space<vmem>>) offsets(%dma_start3A_99 : memref<128xi32, #tpu.memory_space<vmem>>) semaphore(%arg12 : memref<!tpu.dma_semaphore, #tpu.memory_space<semaphore_mem>>)
      } else {
      }
      %add3A_79 = arith.constant 1 : i32
      %add3A_80 = arith.addi %mul3A_68, %add3A_79 : i32
      %dma_wait3A_81 = arith.constant 0 : i32
      %dma_wait3A_82 = tpu.memref_slice %arg6[%add3A_80, %dma_wait3A_81] : memref<32x128xi32, #tpu.memory_space<vmem>> -> memref<1x128xi32, #tpu.memory_space<vmem>>
      %dma_wait3A_83 = tpu.memref_squeeze %dma_wait3A_82 : memref<1x128xi32, #tpu.memory_space<vmem>> -> memref<128xi32, #tpu.memory_space<vmem>>
      %dma_wait3A_84 = arith.constant 0 : i32
      %dma_wait3A_85 = arith.constant 0 : i32
      %dma_wait3A_86 = tpu.memref_slice %arg2[%dma_wait3A_84, %dma_wait3A_85] : memref<4096x128xf32, #tpu.memory_space<hbm>> -> memref<4096x128xf32, #tpu.memory_space<hbm>>
      tpu.wait_indirect_dma semaphore(%arg13 : memref<!tpu.dma_semaphore, #tpu.memory_space<semaphore_mem>>) src(%dma_wait3A_86 : memref<4096x128xf32, #tpu.memory_space<hbm>>) dst(%arg9 : memref<128x128xf32, #tpu.memory_space<vmem>>)
      "tpu.region"() ({
        %run_scoped3A = tpu.sem_alloc : memref<!tpu.dma_semaphore, #tpu.memory_space<semaphore_mem>>
        %dma_start3A_95 = arith.constant 0 : i32
        %dma_start3A_96 = tpu.memref_slice %arg7[%add3A_80, %dma_start3A_95] : memref<32x128xi32, #tpu.memory_space<vmem>> -> memref<1x128xi32, #tpu.memory_space<vmem>>
        %dma_start3A_97 = tpu.memref_squeeze %dma_start3A_96 : memref<1x128xi32, #tpu.memory_space<vmem>> -> memref<128xi32, #tpu.memory_space<vmem>>
        %dma_start3A_98 = arith.constant 0 : i32
        %dma_start3A_99 = arith.constant 0 : i32
        %dma_start3A_100 = tpu.memref_slice %arg11[%dma_start3A_98, %dma_start3A_99] : memref<4104x128xf32, #tpu.memory_space<vmem_shared>> -> memref<4104x128xf32, #tpu.memory_space<vmem_shared>>
        tpu.enqueue_indirect_dma source(%arg9 : memref<128x128xf32, #tpu.memory_space<vmem>>) target(%dma_start3A_100 : memref<4104x128xf32, #tpu.memory_space<vmem_shared>>) offsets(%dma_start3A_97 : memref<128xi32, #tpu.memory_space<vmem>>) semaphore(%run_scoped3A : memref<!tpu.dma_semaphore, #tpu.memory_space<semaphore_mem>>) {add = true}
        %dma_wait3A_101 = arith.constant 0 : i32
        %dma_wait3A_102 = tpu.memref_slice %arg7[%add3A_80, %dma_wait3A_101] : memref<32x128xi32, #tpu.memory_space<vmem>> -> memref<1x128xi32, #tpu.memory_space<vmem>>
        %dma_wait3A_103 = tpu.memref_squeeze %dma_wait3A_102 : memref<1x128xi32, #tpu.memory_space<vmem>> -> memref<128xi32, #tpu.memory_space<vmem>>
        %dma_wait3A_104 = arith.constant 0 : i32
        %dma_wait3A_105 = arith.constant 0 : i32
        %dma_wait3A_106 = tpu.memref_slice %arg11[%dma_wait3A_104, %dma_wait3A_105] : memref<4104x128xf32, #tpu.memory_space<vmem_shared>> -> memref<4104x128xf32, #tpu.memory_space<vmem_shared>>
        tpu.wait_indirect_dma semaphore(%run_scoped3A : memref<!tpu.dma_semaphore, #tpu.memory_space<semaphore_mem>>) src(%arg9 : memref<128x128xf32, #tpu.memory_space<vmem>>) dst(%dma_wait3A_106 : memref<4104x128xf32, #tpu.memory_space<vmem_shared>>)
        tpu.yield
      }) : () -> ()
      %add3A_87 = arith.constant 3 : i32
      %add3A_88 = arith.addi %mul3A_68, %add3A_87 : i32
      %lt3A_89 = arith.constant 32 : i32
      %lt3A_90 = arith.cmpi slt, %add3A_88, %lt3A_89 : i32
      %convert_element_type3A_91 = arith.extui %lt3A_90 : i1 to i32
      %cond3A_92 = arith.constant 0 : i32
      %cond3A_93 = arith.cmpi ne, %convert_element_type3A_91, %cond3A_92 : i32
      scf.if %cond3A_93 {
        %add3A_95 = arith.constant 3 : i32
        %add3A_96 = arith.addi %mul3A_68, %add3A_95 : i32
        %dma_start3A_97 = arith.constant 0 : i32
        %dma_start3A_98 = tpu.memref_slice %arg6[%add3A_96, %dma_start3A_97] : memref<32x128xi32, #tpu.memory_space<vmem>> -> memref<1x128xi32, #tpu.memory_space<vmem>>
        %dma_start3A_99 = tpu.memref_squeeze %dma_start3A_98 : memref<1x128xi32, #tpu.memory_space<vmem>> -> memref<128xi32, #tpu.memory_space<vmem>>
        %dma_start3A_100 = arith.constant 0 : i32
        %dma_start3A_101 = arith.constant 0 : i32
        %dma_start3A_102 = tpu.memref_slice %arg2[%dma_start3A_100, %dma_start3A_101] : memref<4096x128xf32, #tpu.memory_space<hbm>> -> memref<4096x128xf32, #tpu.memory_space<hbm>>
        tpu.enqueue_indirect_dma source(%dma_start3A_102 : memref<4096x128xf32, #tpu.memory_space<hbm>>) target(%arg9 : memref<128x128xf32, #tpu.memory_space<vmem>>) offsets(%dma_start3A_99 : memref<128xi32, #tpu.memory_space<vmem>>) semaphore(%arg13 : memref<!tpu.dma_semaphore, #tpu.memory_space<semaphore_mem>>)
      } else {
      }
      %scan3A_94 = arith.constant 0 : i32
      scf.yield %scan3A_94 : i32
    }
    %scan3A_59 = arith.constant 16 : i32
    %barrier3A_60 = arith.constant 0 : index
    tpu.barrier barrier_id(%barrier3A_60)
    %mul3A_61 = arith.constant 256 : i32
    %mul3A_62 = arith.muli %arg1, %mul3A_61 : i32
    %mul3A_63 = arith.constant 256 : i32
    %mul3A_64 = arith.muli %arg1, %mul3A_63 : i32
    "tpu.region"() ({
      %run_scoped3A = tpu.sem_alloc : memref<!tpu.dma_semaphore, #tpu.memory_space<semaphore_mem>>
      %dma_start3A_65 = arith.constant 0 : i32
      %dma_start3A_66 = tpu.memref_slice %arg5[%arg0, %mul3A_64, %dma_start3A_65] : memref<2x4104x128xf32, #tpu.memory_space<hbm>> -> memref<1x256x128xf32, #tpu.memory_space<hbm>>
      %dma_start3A_67 = tpu.memref_squeeze %dma_start3A_66 : memref<1x256x128xf32, #tpu.memory_space<hbm>> -> memref<256x128xf32, #tpu.memory_space<hbm>>
      %dma_start3A_68 = arith.constant 0 : i32
      %dma_start3A_69 = tpu.memref_slice %arg11[%mul3A_62, %dma_start3A_68] : memref<4104x128xf32, #tpu.memory_space<vmem_shared>> -> memref<256x128xf32, #tpu.memory_space<vmem_shared>>
      tpu.enqueue_dma source(%dma_start3A_69 : memref<256x128xf32, #tpu.memory_space<vmem_shared>>) target(%dma_start3A_67 : memref<256x128xf32, #tpu.memory_space<hbm>>) target_semaphore(%run_scoped3A : memref<!tpu.dma_semaphore, #tpu.memory_space<semaphore_mem>>)
      %dma_wait3A_70 = arith.constant 0 : i32
      %dma_wait3A_71 = tpu.memref_slice %arg5[%arg0, %mul3A_64, %dma_wait3A_70] : memref<2x4104x128xf32, #tpu.memory_space<hbm>> -> memref<1x256x128xf32, #tpu.memory_space<hbm>>
      %dma_wait3A_72 = tpu.memref_squeeze %dma_wait3A_71 : memref<1x256x128xf32, #tpu.memory_space<hbm>> -> memref<256x128xf32, #tpu.memory_space<hbm>>
      %dma_wait3A_73 = arith.constant 0 : i32
      %dma_wait3A_74 = tpu.memref_slice %arg11[%mul3A_62, %dma_wait3A_73] : memref<4104x128xf32, #tpu.memory_space<vmem_shared>> -> memref<256x128xf32, #tpu.memory_space<vmem_shared>>
      tpu.wait_dma2 semaphore(%run_scoped3A : memref<!tpu.dma_semaphore, #tpu.memory_space<semaphore_mem>>) src(%dma_wait3A_74 : memref<256x128xf32, #tpu.memory_space<vmem_shared>>) dst(%dma_wait3A_72 : memref<256x128xf32, #tpu.memory_space<hbm>>)
      tpu.yield
    }) : () -> ()
    return
  }
}

#map = affine_map<(d0, d1) -> (0, 0)>
#map1 = affine_map<(d0, d1) -> (0, 0, 0)>
module attributes {stable_mosaic.version = 14 : i64} {
  func.func @agg(%arg0: i32, %arg1: i32, %arg2: memref<4096x128xf32, #tpu.memory_space<hbm>>, %arg3: memref<32x32x128xi32, #tpu.memory_space<hbm>>, %arg4: memref<32x32x128xi32, #tpu.memory_space<hbm>>, %arg5: memref<2x4104x128xf32, #tpu.memory_space<hbm>>, %arg6: memref<32x128xi32, #tpu.memory_space<vmem>>, %arg7: memref<32x128xi32, #tpu.memory_space<vmem>>, %arg8: memref<128x128xf32, #tpu.memory_space<vmem>>, %arg9: memref<128x128xf32, #tpu.memory_space<vmem>>, %arg10: memref<256x128xf32, #tpu.memory_space<vmem>>, %arg11: memref<4104x128xf32, #tpu.memory_space<vmem_shared>>, %arg12: memref<!tpu.dma_semaphore, #tpu.memory_space<semaphore_mem>>, %arg13: memref<!tpu.dma_semaphore, #tpu.memory_space<semaphore_mem>>) attributes {dimension_semantics = [#tpu.dimension_semantics<core_parallel>, #tpu.dimension_semantics<subcore_parallel>], iteration_bounds = array<i64: 2, 16>, scalar_prefetch = 0 : i64, scratch_operands = 8 : i64, tpu.core_type = #tpu.core_type<sc_vector_subcore>, window_params = [{transform_indices = #map}, {transform_indices = #map1}, {transform_indices = #map1}, {transform_indices = #map1}]} {
    %mul3A = arith.constant 16 : i32
    %mul3A_0 = arith.muli %arg0, %mul3A : i32
    %add3A = arith.addi %mul3A_0, %arg1 : i32
    %dma_start3A = arith.constant 0 : i32
    %dma_start3A_1 = arith.constant 0 : i32
    %dma_start3A_2 = tpu.memref_slice %arg3[%add3A, %dma_start3A, %dma_start3A_1] : memref<32x32x128xi32, #tpu.memory_space<hbm>> -> memref<1x32x128xi32, #tpu.memory_space<hbm>>
    %dma_start3A_3 = tpu.memref_squeeze %dma_start3A_2 : memref<1x32x128xi32, #tpu.memory_space<hbm>> -> memref<32x128xi32, #tpu.memory_space<hbm>>
    %dma_start3A_4 = arith.constant 0 : i32
    %dma_start3A_5 = arith.constant 0 : i32
    %dma_start3A_6 = tpu.memref_slice %arg3[%add3A, %dma_start3A_4, %dma_start3A_5] : memref<32x32x128xi32, #tpu.memory_space<hbm>> -> memref<1x32x128xi32, #tpu.memory_space<hbm>>
    %dma_start3A_7 = tpu.memref_squeeze %dma_start3A_6 : memref<1x32x128xi32, #tpu.memory_space<hbm>> -> memref<32x128xi32, #tpu.memory_space<hbm>>
    tpu.enqueue_dma source(%dma_start3A_7 : memref<32x128xi32, #tpu.memory_space<hbm>>) target(%arg6 : memref<32x128xi32, #tpu.memory_space<vmem>>) target_semaphore(%arg12 : memref<!tpu.dma_semaphore, #tpu.memory_space<semaphore_mem>>)
    %dma_start3A_8 = arith.constant 0 : i32
    %dma_start3A_9 = arith.constant 0 : i32
    %dma_start3A_10 = tpu.memref_slice %arg4[%add3A, %dma_start3A_8, %dma_start3A_9] : memref<32x32x128xi32, #tpu.memory_space<hbm>> -> memref<1x32x128xi32, #tpu.memory_space<hbm>>
    %dma_start3A_11 = tpu.memref_squeeze %dma_start3A_10 : memref<1x32x128xi32, #tpu.memory_space<hbm>> -> memref<32x128xi32, #tpu.memory_space<hbm>>
    %dma_start3A_12 = arith.constant 0 : i32
    %dma_start3A_13 = arith.constant 0 : i32
    %dma_start3A_14 = tpu.memref_slice %arg4[%add3A, %dma_start3A_12, %dma_start3A_13] : memref<32x32x128xi32, #tpu.memory_space<hbm>> -> memref<1x32x128xi32, #tpu.memory_space<hbm>>
    %dma_start3A_15 = tpu.memref_squeeze %dma_start3A_14 : memref<1x32x128xi32, #tpu.memory_space<hbm>> -> memref<32x128xi32, #tpu.memory_space<hbm>>
    tpu.enqueue_dma source(%dma_start3A_15 : memref<32x128xi32, #tpu.memory_space<hbm>>) target(%arg7 : memref<32x128xi32, #tpu.memory_space<vmem>>) target_semaphore(%arg13 : memref<!tpu.dma_semaphore, #tpu.memory_space<semaphore_mem>>)
    %scan3A = arith.constant 0 : i32
    %scan3A_16 = arith.constant 0 : i32
    %scan3A_17 = arith.constant 256 : i32
    %scan3A_18 = arith.addi %scan3A_16, %scan3A_17 : i32
    %scan3A_19 = arith.constant 1 : i32
    %scan3A_20 = scf.for %scan3A_65 = %scan3A_16 to %scan3A_18 step %scan3A_19 iter_args(%scan3A_66 = %scan3A) -> (i32)  : i32 {
      %broadcast_in_dim3A = arith.constant 0.000000e+00 : f32
      %broadcast_in_dim3A_67 = vector.broadcast %broadcast_in_dim3A : f32 to vector<16xf32>
      %swap3A = arith.index_cast %scan3A_65 : i32 to index
      %swap3A_68 = arith.constant 0 : index
      %swap3A_69 = tpu.vector_load %arg10[%swap3A, %swap3A_68] {strides = array<i32>} : memref<256x128xf32, #tpu.memory_space<vmem>>, vector<1x16xf32>,
      %swap3A_70 = vector.shape_cast %swap3A_69 : vector<1x16xf32> to vector<16xf32>
      %swap3A_71 = vector.shape_cast %broadcast_in_dim3A_67 : vector<16xf32> to vector<1x16xf32>
      tpu.vector_store %arg10[%swap3A, %swap3A_68], %swap3A_71 {strides = array<i32>} : memref<256x128xf32, #tpu.memory_space<vmem>>, vector<1x16xf32>,
      %broadcast_in_dim3A_72 = arith.constant 0.000000e+00 : f32
      %broadcast_in_dim3A_73 = vector.broadcast %broadcast_in_dim3A_72 : f32 to vector<16xf32>
      %swap3A_74 = arith.index_cast %scan3A_65 : i32 to index
      %swap3A_75 = arith.constant 16 : index
      %swap3A_76 = tpu.vector_load %arg10[%swap3A_74, %swap3A_75] {strides = array<i32>} : memref<256x128xf32, #tpu.memory_space<vmem>>, vector<1x16xf32>,
      %swap3A_77 = vector.shape_cast %swap3A_76 : vector<1x16xf32> to vector<16xf32>
      %swap3A_78 = vector.shape_cast %broadcast_in_dim3A_73 : vector<16xf32> to vector<1x16xf32>
      tpu.vector_store %arg10[%swap3A_74, %swap3A_75], %swap3A_78 {strides = array<i32>} : memref<256x128xf32, #tpu.memory_space<vmem>>, vector<1x16xf32>,
      %broadcast_in_dim3A_79 = arith.constant 0.000000e+00 : f32
      %broadcast_in_dim3A_80 = vector.broadcast %broadcast_in_dim3A_79 : f32 to vector<16xf32>
      %swap3A_81 = arith.index_cast %scan3A_65 : i32 to index
      %swap3A_82 = arith.constant 32 : index
      %swap3A_83 = tpu.vector_load %arg10[%swap3A_81, %swap3A_82] {strides = array<i32>} : memref<256x128xf32, #tpu.memory_space<vmem>>, vector<1x16xf32>,
      %swap3A_84 = vector.shape_cast %swap3A_83 : vector<1x16xf32> to vector<16xf32>
      %swap3A_85 = vector.shape_cast %broadcast_in_dim3A_80 : vector<16xf32> to vector<1x16xf32>
      tpu.vector_store %arg10[%swap3A_81, %swap3A_82], %swap3A_85 {strides = array<i32>} : memref<256x128xf32, #tpu.memory_space<vmem>>, vector<1x16xf32>,
      %broadcast_in_dim3A_86 = arith.constant 0.000000e+00 : f32
      %broadcast_in_dim3A_87 = vector.broadcast %broadcast_in_dim3A_86 : f32 to vector<16xf32>
      %swap3A_88 = arith.index_cast %scan3A_65 : i32 to index
      %swap3A_89 = arith.constant 48 : index
      %swap3A_90 = tpu.vector_load %arg10[%swap3A_88, %swap3A_89] {strides = array<i32>} : memref<256x128xf32, #tpu.memory_space<vmem>>, vector<1x16xf32>,
      %swap3A_91 = vector.shape_cast %swap3A_90 : vector<1x16xf32> to vector<16xf32>
      %swap3A_92 = vector.shape_cast %broadcast_in_dim3A_87 : vector<16xf32> to vector<1x16xf32>
      tpu.vector_store %arg10[%swap3A_88, %swap3A_89], %swap3A_92 {strides = array<i32>} : memref<256x128xf32, #tpu.memory_space<vmem>>, vector<1x16xf32>,
      %broadcast_in_dim3A_93 = arith.constant 0.000000e+00 : f32
      %broadcast_in_dim3A_94 = vector.broadcast %broadcast_in_dim3A_93 : f32 to vector<16xf32>
      %swap3A_95 = arith.index_cast %scan3A_65 : i32 to index
      %swap3A_96 = arith.constant 64 : index
      %swap3A_97 = tpu.vector_load %arg10[%swap3A_95, %swap3A_96] {strides = array<i32>} : memref<256x128xf32, #tpu.memory_space<vmem>>, vector<1x16xf32>,
      %swap3A_98 = vector.shape_cast %swap3A_97 : vector<1x16xf32> to vector<16xf32>
      %swap3A_99 = vector.shape_cast %broadcast_in_dim3A_94 : vector<16xf32> to vector<1x16xf32>
      tpu.vector_store %arg10[%swap3A_95, %swap3A_96], %swap3A_99 {strides = array<i32>} : memref<256x128xf32, #tpu.memory_space<vmem>>, vector<1x16xf32>,
      %broadcast_in_dim3A_100 = arith.constant 0.000000e+00 : f32
      %broadcast_in_dim3A_101 = vector.broadcast %broadcast_in_dim3A_100 : f32 to vector<16xf32>
      %swap3A_102 = arith.index_cast %scan3A_65 : i32 to index
      %swap3A_103 = arith.constant 80 : index
      %swap3A_104 = tpu.vector_load %arg10[%swap3A_102, %swap3A_103] {strides = array<i32>} : memref<256x128xf32, #tpu.memory_space<vmem>>, vector<1x16xf32>,
      %swap3A_105 = vector.shape_cast %swap3A_104 : vector<1x16xf32> to vector<16xf32>
      %swap3A_106 = vector.shape_cast %broadcast_in_dim3A_101 : vector<16xf32> to vector<1x16xf32>
      tpu.vector_store %arg10[%swap3A_102, %swap3A_103], %swap3A_106 {strides = array<i32>} : memref<256x128xf32, #tpu.memory_space<vmem>>, vector<1x16xf32>,
      %broadcast_in_dim3A_107 = arith.constant 0.000000e+00 : f32
      %broadcast_in_dim3A_108 = vector.broadcast %broadcast_in_dim3A_107 : f32 to vector<16xf32>
      %swap3A_109 = arith.index_cast %scan3A_65 : i32 to index
      %swap3A_110 = arith.constant 96 : index
      %swap3A_111 = tpu.vector_load %arg10[%swap3A_109, %swap3A_110] {strides = array<i32>} : memref<256x128xf32, #tpu.memory_space<vmem>>, vector<1x16xf32>,
      %swap3A_112 = vector.shape_cast %swap3A_111 : vector<1x16xf32> to vector<16xf32>
      %swap3A_113 = vector.shape_cast %broadcast_in_dim3A_108 : vector<16xf32> to vector<1x16xf32>
      tpu.vector_store %arg10[%swap3A_109, %swap3A_110], %swap3A_113 {strides = array<i32>} : memref<256x128xf32, #tpu.memory_space<vmem>>, vector<1x16xf32>,
      %broadcast_in_dim3A_114 = arith.constant 0.000000e+00 : f32
      %broadcast_in_dim3A_115 = vector.broadcast %broadcast_in_dim3A_114 : f32 to vector<16xf32>
      %swap3A_116 = arith.index_cast %scan3A_65 : i32 to index
      %swap3A_117 = arith.constant 112 : index
      %swap3A_118 = tpu.vector_load %arg10[%swap3A_116, %swap3A_117] {strides = array<i32>} : memref<256x128xf32, #tpu.memory_space<vmem>>, vector<1x16xf32>,
      %swap3A_119 = vector.shape_cast %swap3A_118 : vector<1x16xf32> to vector<16xf32>
      %swap3A_120 = vector.shape_cast %broadcast_in_dim3A_115 : vector<16xf32> to vector<1x16xf32>
      tpu.vector_store %arg10[%swap3A_116, %swap3A_117], %swap3A_120 {strides = array<i32>} : memref<256x128xf32, #tpu.memory_space<vmem>>, vector<1x16xf32>,
      %scan3A_121 = arith.constant 0 : i32
      scf.yield %scan3A_121 : i32
    }
    %scan3A_21 = arith.constant 256 : i32
    %dma_wait3A = arith.constant 0 : i32
    %dma_wait3A_22 = arith.constant 0 : i32
    %dma_wait3A_23 = tpu.memref_slice %arg3[%add3A, %dma_wait3A, %dma_wait3A_22] : memref<32x32x128xi32, #tpu.memory_space<hbm>> -> memref<1x32x128xi32, #tpu.memory_space<hbm>>
    %dma_wait3A_24 = tpu.memref_squeeze %dma_wait3A_23 : memref<1x32x128xi32, #tpu.memory_space<hbm>> -> memref<32x128xi32, #tpu.memory_space<hbm>>
    %dma_wait3A_25 = arith.constant 0 : i32
    %dma_wait3A_26 = arith.constant 0 : i32
    %dma_wait3A_27 = tpu.memref_slice %arg3[%add3A, %dma_wait3A_25, %dma_wait3A_26] : memref<32x32x128xi32, #tpu.memory_space<hbm>> -> memref<1x32x128xi32, #tpu.memory_space<hbm>>
    %dma_wait3A_28 = tpu.memref_squeeze %dma_wait3A_27 : memref<1x32x128xi32, #tpu.memory_space<hbm>> -> memref<32x128xi32, #tpu.memory_space<hbm>>
    tpu.wait_dma2 semaphore(%arg12 : memref<!tpu.dma_semaphore, #tpu.memory_space<semaphore_mem>>) src(%dma_wait3A_28 : memref<32x128xi32, #tpu.memory_space<hbm>>) dst(%arg6 : memref<32x128xi32, #tpu.memory_space<vmem>>)
    %dma_wait3A_29 = arith.constant 0 : i32
    %dma_wait3A_30 = arith.constant 0 : i32
    %dma_wait3A_31 = tpu.memref_slice %arg4[%add3A, %dma_wait3A_29, %dma_wait3A_30] : memref<32x32x128xi32, #tpu.memory_space<hbm>> -> memref<1x32x128xi32, #tpu.memory_space<hbm>>
    %dma_wait3A_32 = tpu.memref_squeeze %dma_wait3A_31 : memref<1x32x128xi32, #tpu.memory_space<hbm>> -> memref<32x128xi32, #tpu.memory_space<hbm>>
    %dma_wait3A_33 = arith.constant 0 : i32
    %dma_wait3A_34 = arith.constant 0 : i32
    %dma_wait3A_35 = tpu.memref_slice %arg4[%add3A, %dma_wait3A_33, %dma_wait3A_34] : memref<32x32x128xi32, #tpu.memory_space<hbm>> -> memref<1x32x128xi32, #tpu.memory_space<hbm>>
    %dma_wait3A_36 = tpu.memref_squeeze %dma_wait3A_35 : memref<1x32x128xi32, #tpu.memory_space<hbm>> -> memref<32x128xi32, #tpu.memory_space<hbm>>
    tpu.wait_dma2 semaphore(%arg13 : memref<!tpu.dma_semaphore, #tpu.memory_space<semaphore_mem>>) src(%dma_wait3A_36 : memref<32x128xi32, #tpu.memory_space<hbm>>) dst(%arg7 : memref<32x128xi32, #tpu.memory_space<vmem>>)
    %dma_start3A_37 = arith.constant 0 : i32
    %dma_start3A_38 = arith.constant 0 : i32
    %dma_start3A_39 = tpu.memref_slice %arg6[%dma_start3A_37, %dma_start3A_38] : memref<32x128xi32, #tpu.memory_space<vmem>> -> memref<1x128xi32, #tpu.memory_space<vmem>>
    %dma_start3A_40 = tpu.memref_squeeze %dma_start3A_39 : memref<1x128xi32, #tpu.memory_space<vmem>> -> memref<128xi32, #tpu.memory_space<vmem>>
    %dma_start3A_41 = arith.constant 0 : i32
    %dma_start3A_42 = arith.constant 0 : i32
    %dma_start3A_43 = tpu.memref_slice %arg2[%dma_start3A_41, %dma_start3A_42] : memref<4096x128xf32, #tpu.memory_space<hbm>> -> memref<4096x128xf32, #tpu.memory_space<hbm>>
    tpu.enqueue_indirect_dma source(%dma_start3A_43 : memref<4096x128xf32, #tpu.memory_space<hbm>>) target(%arg8 : memref<128x128xf32, #tpu.memory_space<vmem>>) offsets(%dma_start3A_40 : memref<128xi32, #tpu.memory_space<vmem>>) semaphore(%arg12 : memref<!tpu.dma_semaphore, #tpu.memory_space<semaphore_mem>>)
    %dma_start3A_44 = arith.constant 1 : i32
    %dma_start3A_45 = arith.constant 0 : i32
    %dma_start3A_46 = tpu.memref_slice %arg6[%dma_start3A_44, %dma_start3A_45] : memref<32x128xi32, #tpu.memory_space<vmem>> -> memref<1x128xi32, #tpu.memory_space<vmem>>
    %dma_start3A_47 = tpu.memref_squeeze %dma_start3A_46 : memref<1x128xi32, #tpu.memory_space<vmem>> -> memref<128xi32, #tpu.memory_space<vmem>>
    %dma_start3A_48 = arith.constant 0 : i32
    %dma_start3A_49 = arith.constant 0 : i32
    %dma_start3A_50 = tpu.memref_slice %arg2[%dma_start3A_48, %dma_start3A_49] : memref<4096x128xf32, #tpu.memory_space<hbm>> -> memref<4096x128xf32, #tpu.memory_space<hbm>>
    tpu.enqueue_indirect_dma source(%dma_start3A_50 : memref<4096x128xf32, #tpu.memory_space<hbm>>) target(%arg9 : memref<128x128xf32, #tpu.memory_space<vmem>>) offsets(%dma_start3A_47 : memref<128xi32, #tpu.memory_space<vmem>>) semaphore(%arg13 : memref<!tpu.dma_semaphore, #tpu.memory_space<semaphore_mem>>)
    %mul3A_51 = arith.constant 256 : i32
    %mul3A_52 = arith.muli %arg1, %mul3A_51 : i32
    "tpu.region"() ({
      %run_scoped3A = tpu.sem_alloc : memref<!tpu.dma_semaphore, #tpu.memory_space<semaphore_mem>>
      %dma_start3A_65 = arith.constant 0 : i32
      %dma_start3A_66 = tpu.memref_slice %arg11[%mul3A_52, %dma_start3A_65] : memref<4104x128xf32, #tpu.memory_space<vmem_shared>> -> memref<256x128xf32, #tpu.memory_space<vmem_shared>>
      %dma_start3A_67 = arith.constant 0 : i32
      %dma_start3A_68 = tpu.memref_slice %arg11[%mul3A_52, %dma_start3A_67] : memref<4104x128xf32, #tpu.memory_space<vmem_shared>> -> memref<256x128xf32, #tpu.memory_space<vmem_shared>>
      tpu.enqueue_dma source(%arg10 : memref<256x128xf32, #tpu.memory_space<vmem>>) target(%dma_start3A_68 : memref<256x128xf32, #tpu.memory_space<vmem_shared>>) target_semaphore(%run_scoped3A : memref<!tpu.dma_semaphore, #tpu.memory_space<semaphore_mem>>)
      %dma_wait3A_69 = arith.constant 0 : i32
      %dma_wait3A_70 = tpu.memref_slice %arg11[%mul3A_52, %dma_wait3A_69] : memref<4104x128xf32, #tpu.memory_space<vmem_shared>> -> memref<256x128xf32, #tpu.memory_space<vmem_shared>>
      %dma_wait3A_71 = arith.constant 0 : i32
      %dma_wait3A_72 = tpu.memref_slice %arg11[%mul3A_52, %dma_wait3A_71] : memref<4104x128xf32, #tpu.memory_space<vmem_shared>> -> memref<256x128xf32, #tpu.memory_space<vmem_shared>>
      tpu.wait_dma2 semaphore(%run_scoped3A : memref<!tpu.dma_semaphore, #tpu.memory_space<semaphore_mem>>) src(%arg10 : memref<256x128xf32, #tpu.memory_space<vmem>>) dst(%dma_wait3A_72 : memref<256x128xf32, #tpu.memory_space<vmem_shared>>)
      tpu.yield
    }) : () -> ()
    %barrier3A = arith.constant 0 : index
    tpu.barrier barrier_id(%barrier3A)
    %scan3A_53 = arith.constant 0 : i32
    %scan3A_54 = arith.constant 0 : i32
    %scan3A_55 = arith.constant 16 : i32
    %scan3A_56 = arith.addi %scan3A_54, %scan3A_55 : i32
    %scan3A_57 = arith.constant 1 : i32
    %scan3A_58 = scf.for %scan3A_65 = %scan3A_54 to %scan3A_56 step %scan3A_57 iter_args(%scan3A_66 = %scan3A_53) -> (i32)  : i32 {
      %mul3A_67 = arith.constant 2 : i32
      %mul3A_68 = arith.muli %mul3A_67, %scan3A_65 : i32
      %dma_wait3A_69 = arith.constant 0 : i32
      %dma_wait3A_70 = tpu.memref_slice %arg6[%mul3A_68, %dma_wait3A_69] : memref<32x128xi32, #tpu.memory_space<vmem>> -> memref<1x128xi32, #tpu.memory_space<vmem>>
      %dma_wait3A_71 = tpu.memref_squeeze %dma_wait3A_70 : memref<1x128xi32, #tpu.memory_space<vmem>> -> memref<128xi32, #tpu.memory_space<vmem>>
      %dma_wait3A_72 = arith.constant 0 : i32
      %dma_wait3A_73 = arith.constant 0 : i32
      %dma_wait3A_74 = tpu.memref_slice %arg2[%dma_wait3A_72, %dma_wait3A_73] : memref<4096x128xf32, #tpu.memory_space<hbm>> -> memref<4096x128xf32, #tpu.memory_space<hbm>>
      tpu.wait_indirect_dma semaphore(%arg12 : memref<!tpu.dma_semaphore, #tpu.memory_space<semaphore_mem>>) src(%dma_wait3A_74 : memref<4096x128xf32, #tpu.memory_space<hbm>>) dst(%arg8 : memref<128x128xf32, #tpu.memory_space<vmem>>)
      "tpu.region"() ({
        %run_scoped3A = tpu.sem_alloc : memref<!tpu.dma_semaphore, #tpu.memory_space<semaphore_mem>>
        %dma_start3A_95 = arith.constant 0 : i32
        %dma_start3A_96 = tpu.memref_slice %arg7[%mul3A_68, %dma_start3A_95] : memref<32x128xi32, #tpu.memory_space<vmem>> -> memref<1x128xi32, #tpu.memory_space<vmem>>
        %dma_start3A_97 = tpu.memref_squeeze %dma_start3A_96 : memref<1x128xi32, #tpu.memory_space<vmem>> -> memref<128xi32, #tpu.memory_space<vmem>>
        %dma_start3A_98 = arith.constant 0 : i32
        %dma_start3A_99 = arith.constant 0 : i32
        %dma_start3A_100 = tpu.memref_slice %arg11[%dma_start3A_98, %dma_start3A_99] : memref<4104x128xf32, #tpu.memory_space<vmem_shared>> -> memref<4104x128xf32, #tpu.memory_space<vmem_shared>>
        tpu.enqueue_indirect_dma source(%arg8 : memref<128x128xf32, #tpu.memory_space<vmem>>) target(%dma_start3A_100 : memref<4104x128xf32, #tpu.memory_space<vmem_shared>>) offsets(%dma_start3A_97 : memref<128xi32, #tpu.memory_space<vmem>>) semaphore(%run_scoped3A : memref<!tpu.dma_semaphore, #tpu.memory_space<semaphore_mem>>) {add = true}
        %dma_wait3A_101 = arith.constant 0 : i32
        %dma_wait3A_102 = tpu.memref_slice %arg7[%mul3A_68, %dma_wait3A_101] : memref<32x128xi32, #tpu.memory_space<vmem>> -> memref<1x128xi32, #tpu.memory_space<vmem>>
        %dma_wait3A_103 = tpu.memref_squeeze %dma_wait3A_102 : memref<1x128xi32, #tpu.memory_space<vmem>> -> memref<128xi32, #tpu.memory_space<vmem>>
        %dma_wait3A_104 = arith.constant 0 : i32
        %dma_wait3A_105 = arith.constant 0 : i32
        %dma_wait3A_106 = tpu.memref_slice %arg11[%dma_wait3A_104, %dma_wait3A_105] : memref<4104x128xf32, #tpu.memory_space<vmem_shared>> -> memref<4104x128xf32, #tpu.memory_space<vmem_shared>>
        tpu.wait_indirect_dma semaphore(%run_scoped3A : memref<!tpu.dma_semaphore, #tpu.memory_space<semaphore_mem>>) src(%arg8 : memref<128x128xf32, #tpu.memory_space<vmem>>) dst(%dma_wait3A_106 : memref<4104x128xf32, #tpu.memory_space<vmem_shared>>)
        tpu.yield
      }) : () -> ()
      %add3A_75 = arith.constant 2 : i32
      %add3A_76 = arith.addi %mul3A_68, %add3A_75 : i32
      %lt3A = arith.constant 32 : i32
      %lt3A_77 = arith.cmpi slt, %add3A_76, %lt3A : i32
      %convert_element_type3A = arith.extui %lt3A_77 : i1 to i32
      %cond3A = arith.constant 0 : i32
      %cond3A_78 = arith.cmpi ne, %convert_element_type3A, %cond3A : i32
      scf.if %cond3A_78 {
        %add3A_95 = arith.constant 2 : i32
        %add3A_96 = arith.addi %mul3A_68, %add3A_95 : i32
        %dma_start3A_97 = arith.constant 0 : i32
        %dma_start3A_98 = tpu.memref_slice %arg6[%add3A_96, %dma_start3A_97] : memref<32x128xi32, #tpu.memory_space<vmem>> -> memref<1x128xi32, #tpu.memory_space<vmem>>
        %dma_start3A_99 = tpu.memref_squeeze %dma_start3A_98 : memref<1x128xi32, #tpu.memory_space<vmem>> -> memref<128xi32, #tpu.memory_space<vmem>>
        %dma_start3A_100 = arith.constant 0 : i32
        %dma_start3A_101 = arith.constant 0 : i32
        %dma_start3A_102 = tpu.memref_slice %arg2[%dma_start3A_100, %dma_start3A_101] : memref<4096x128xf32, #tpu.memory_space<hbm>> -> memref<4096x128xf32, #tpu.memory_space<hbm>>
        tpu.enqueue_indirect_dma source(%dma_start3A_102 : memref<4096x128xf32, #tpu.memory_space<hbm>>) target(%arg8 : memref<128x128xf32, #tpu.memory_space<vmem>>) offsets(%dma_start3A_99 : memref<128xi32, #tpu.memory_space<vmem>>) semaphore(%arg12 : memref<!tpu.dma_semaphore, #tpu.memory_space<semaphore_mem>>)
      } else {
      }
      %add3A_79 = arith.constant 1 : i32
      %add3A_80 = arith.addi %mul3A_68, %add3A_79 : i32
      %dma_wait3A_81 = arith.constant 0 : i32
      %dma_wait3A_82 = tpu.memref_slice %arg6[%add3A_80, %dma_wait3A_81] : memref<32x128xi32, #tpu.memory_space<vmem>> -> memref<1x128xi32, #tpu.memory_space<vmem>>
      %dma_wait3A_83 = tpu.memref_squeeze %dma_wait3A_82 : memref<1x128xi32, #tpu.memory_space<vmem>> -> memref<128xi32, #tpu.memory_space<vmem>>
      %dma_wait3A_84 = arith.constant 0 : i32
      %dma_wait3A_85 = arith.constant 0 : i32
      %dma_wait3A_86 = tpu.memref_slice %arg2[%dma_wait3A_84, %dma_wait3A_85] : memref<4096x128xf32, #tpu.memory_space<hbm>> -> memref<4096x128xf32, #tpu.memory_space<hbm>>
      tpu.wait_indirect_dma semaphore(%arg13 : memref<!tpu.dma_semaphore, #tpu.memory_space<semaphore_mem>>) src(%dma_wait3A_86 : memref<4096x128xf32, #tpu.memory_space<hbm>>) dst(%arg9 : memref<128x128xf32, #tpu.memory_space<vmem>>)
      "tpu.region"() ({
        %run_scoped3A = tpu.sem_alloc : memref<!tpu.dma_semaphore, #tpu.memory_space<semaphore_mem>>
        %dma_start3A_95 = arith.constant 0 : i32
        %dma_start3A_96 = tpu.memref_slice %arg7[%add3A_80, %dma_start3A_95] : memref<32x128xi32, #tpu.memory_space<vmem>> -> memref<1x128xi32, #tpu.memory_space<vmem>>
        %dma_start3A_97 = tpu.memref_squeeze %dma_start3A_96 : memref<1x128xi32, #tpu.memory_space<vmem>> -> memref<128xi32, #tpu.memory_space<vmem>>
        %dma_start3A_98 = arith.constant 0 : i32
        %dma_start3A_99 = arith.constant 0 : i32
        %dma_start3A_100 = tpu.memref_slice %arg11[%dma_start3A_98, %dma_start3A_99] : memref<4104x128xf32, #tpu.memory_space<vmem_shared>> -> memref<4104x128xf32, #tpu.memory_space<vmem_shared>>
        tpu.enqueue_indirect_dma source(%arg9 : memref<128x128xf32, #tpu.memory_space<vmem>>) target(%dma_start3A_100 : memref<4104x128xf32, #tpu.memory_space<vmem_shared>>) offsets(%dma_start3A_97 : memref<128xi32, #tpu.memory_space<vmem>>) semaphore(%run_scoped3A : memref<!tpu.dma_semaphore, #tpu.memory_space<semaphore_mem>>) {add = true}
        %dma_wait3A_101 = arith.constant 0 : i32
        %dma_wait3A_102 = tpu.memref_slice %arg7[%add3A_80, %dma_wait3A_101] : memref<32x128xi32, #tpu.memory_space<vmem>> -> memref<1x128xi32, #tpu.memory_space<vmem>>
        %dma_wait3A_103 = tpu.memref_squeeze %dma_wait3A_102 : memref<1x128xi32, #tpu.memory_space<vmem>> -> memref<128xi32, #tpu.memory_space<vmem>>
        %dma_wait3A_104 = arith.constant 0 : i32
        %dma_wait3A_105 = arith.constant 0 : i32
        %dma_wait3A_106 = tpu.memref_slice %arg11[%dma_wait3A_104, %dma_wait3A_105] : memref<4104x128xf32, #tpu.memory_space<vmem_shared>> -> memref<4104x128xf32, #tpu.memory_space<vmem_shared>>
        tpu.wait_indirect_dma semaphore(%run_scoped3A : memref<!tpu.dma_semaphore, #tpu.memory_space<semaphore_mem>>) src(%arg9 : memref<128x128xf32, #tpu.memory_space<vmem>>) dst(%dma_wait3A_106 : memref<4104x128xf32, #tpu.memory_space<vmem_shared>>)
        tpu.yield
      }) : () -> ()
      %add3A_87 = arith.constant 3 : i32
      %add3A_88 = arith.addi %mul3A_68, %add3A_87 : i32
      %lt3A_89 = arith.constant 32 : i32
      %lt3A_90 = arith.cmpi slt, %add3A_88, %lt3A_89 : i32
      %convert_element_type3A_91 = arith.extui %lt3A_90 : i1 to i32
      %cond3A_92 = arith.constant 0 : i32
      %cond3A_93 = arith.cmpi ne, %convert_element_type3A_91, %cond3A_92 : i32
      scf.if %cond3A_93 {
        %add3A_95 = arith.constant 3 : i32
        %add3A_96 = arith.addi %mul3A_68, %add3A_95 : i32
        %dma_start3A_97 = arith.constant 0 : i32
        %dma_start3A_98 = tpu.memref_slice %arg6[%add3A_96, %dma_start3A_97] : memref<32x128xi32, #tpu.memory_space<vmem>> -> memref<1x128xi32, #tpu.memory_space<vmem>>
        %dma_start3A_99 = tpu.memref_squeeze %dma_start3A_98 : memref<1x128xi32, #tpu.memory_space<vmem>> -> memref<128xi32, #tpu.memory_space<vmem>>
        %dma_start3A_100 = arith.constant 0 : i32
        %dma_start3A_101 = arith.constant 0 : i32
        %dma_start3A_102 = tpu.memref_slice %arg2[%dma_start3A_100, %dma_start3A_101] : memref<4096x128xf32, #tpu.memory_space<hbm>> -> memref<4096x128xf32, #tpu.memory_space<hbm>>
        tpu.enqueue_indirect_dma source(%dma_start3A_102 : memref<4096x128xf32, #tpu.memory_space<hbm>>) target(%arg9 : memref<128x128xf32, #tpu.memory_space<vmem>>) offsets(%dma_start3A_99 : memref<128xi32, #tpu.memory_space<vmem>>) semaphore(%arg13 : memref<!tpu.dma_semaphore, #tpu.memory_space<semaphore_mem>>)
      } else {
      }
      %scan3A_94 = arith.constant 0 : i32
      scf.yield %scan3A_94 : i32
    }
    %scan3A_59 = arith.constant 16 : i32
    %barrier3A_60 = arith.constant 0 : index
    tpu.barrier barrier_id(%barrier3A_60)
    %mul3A_61 = arith.constant 256 : i32
    %mul3A_62 = arith.muli %arg1, %mul3A_61 : i32
    %mul3A_63 = arith.constant 256 : i32
    %mul3A_64 = arith.muli %arg1, %mul3A_63 : i32
    "tpu.region"() ({
      %run_scoped3A = tpu.sem_alloc : memref<!tpu.dma_semaphore, #tpu.memory_space<semaphore_mem>>
      %dma_start3A_65 = arith.constant 0 : i32
      %dma_start3A_66 = tpu.memref_slice %arg5[%arg0, %mul3A_64, %dma_start3A_65] : memref<2x4104x128xf32, #tpu.memory_space<hbm>> -> memref<1x256x128xf32, #tpu.memory_space<hbm>>
      %dma_start3A_67 = tpu.memref_squeeze %dma_start3A_66 : memref<1x256x128xf32, #tpu.memory_space<hbm>> -> memref<256x128xf32, #tpu.memory_space<hbm>>
      %dma_start3A_68 = arith.constant 0 : i32
      %dma_start3A_69 = tpu.memref_slice %arg11[%mul3A_62, %dma_start3A_68] : memref<4104x128xf32, #tpu.memory_space<vmem_shared>> -> memref<256x128xf32, #tpu.memory_space<vmem_shared>>
      tpu.enqueue_dma source(%dma_start3A_69 : memref<256x128xf32, #tpu.memory_space<vmem_shared>>) target(%dma_start3A_67 : memref<256x128xf32, #tpu.memory_space<hbm>>) target_semaphore(%run_scoped3A : memref<!tpu.dma_semaphore, #tpu.memory_space<semaphore_mem>>)
      %dma_wait3A_70 = arith.constant 0 : i32
      %dma_wait3A_71 = tpu.memref_slice %arg5[%arg0, %mul3A_64, %dma_wait3A_70] : memref<2x4104x128xf32, #tpu.memory_space<hbm>> -> memref<1x256x128xf32, #tpu.memory_space<hbm>>
      %dma_wait3A_72 = tpu.memref_squeeze %dma_wait3A_71 : memref<1x256x128xf32, #tpu.memory_space<hbm>> -> memref<256x128xf32, #tpu.memory_space<hbm>>
      %dma_wait3A_73 = arith.constant 0 : i32
      %dma_wait3A_74 = tpu.memref_slice %arg11[%mul3A_62, %dma_wait3A_73] : memref<4104x128xf32, #tpu.memory_space<vmem_shared>> -> memref<256x128xf32, #tpu.memory_space<vmem_shared>>
      tpu.wait_dma2 semaphore(%run_scoped3A : memref<!tpu.dma_semaphore, #tpu.memory_space<semaphore_mem>>) src(%dma_wait3A_74 : memref<256x128xf32, #tpu.memory_space<vmem_shared>>) dst(%dma_wait3A_72 : memref<256x128xf32, #tpu.memory_space<hbm>>)
      tpu.yield
    }) : () -> ()
    return
  }
}

module attributes {stable_mosaic.version = 14 : i64} {
  func.func @_dense1_body(%arg0: memref<8208x128xf32, #tpu.memory_space<vmem>>, %arg1: memref<4096x128xf32, #tpu.memory_space<vmem>>, %arg2: memref<128x128xf32, #tpu.memory_space<vmem>>, %arg3: memref<1x128xf32, #tpu.memory_space<vmem>>, %arg4: memref<4096x128xf32, #tpu.memory_space<vmem>>, %arg5: memref<4096x1xf32, #tpu.memory_space<vmem>>) attributes {dimension_semantics = [], scalar_prefetch = 0 : i64, scratch_operands = 0 : i64, tpu.core_type = #tpu.core_type<tc>} {
    %get3A = arith.constant 0 : index
    %get3A_0 = arith.constant 0 : index
    %get3A_1 = vector.load %arg0[%get3A, %get3A_0] : memref<8208x128xf32, #tpu.memory_space<vmem>>, vector<4096x128xf32>
    %get3A_2 = arith.constant 4104 : index
    %get3A_3 = arith.constant 0 : index
    %get3A_4 = vector.load %arg0[%get3A_2, %get3A_3] : memref<8208x128xf32, #tpu.memory_space<vmem>>, vector<4096x128xf32>
    %add3A = arith.addf %get3A_1, %get3A_4 : vector<4096x128xf32>
    %slice3A = vector.extract_strided_slice %add3A {offsets = [0, 0], sizes = [4096, 1], strides = [1, 1]} : vector<4096x128xf32> to vector<4096x1xf32>
    %mul3A = arith.constant 6.10351563E-5 : f32
    %mul3A_5 = vector.broadcast %mul3A : f32 to vector<4096x1xf32>
    %mul3A_6 = arith.mulf %slice3A, %mul3A_5 : vector<4096x1xf32>
    %add3A_7 = arith.constant 5.000000e-01 : f32
    %add3A_8 = vector.broadcast %add3A_7 : f32 to vector<4096x1xf32>
    %add3A_9 = arith.addf %mul3A_6, %add3A_8 : vector<4096x1xf32>
    %floor3A = math.floor %add3A_9 : vector<4096x1xf32>
    %mul3A_10 = arith.constant 1.638400e+04 : f32
    %mul3A_11 = vector.broadcast %mul3A_10 : f32 to vector<4096x1xf32>
    %mul3A_12 = arith.mulf %floor3A, %mul3A_11 : vector<4096x1xf32>
    %sub3A = arith.subf %slice3A, %mul3A_12 : vector<4096x1xf32>
    %add3A_13 = arith.constant 1.000000e+00 : f32
    %add3A_14 = vector.broadcast %add3A_13 : f32 to vector<4096x1xf32>
    %add3A_15 = arith.addf %floor3A, %add3A_14 : vector<4096x1xf32>
    %get3A_16 = arith.constant 0 : index
    %get3A_17 = arith.constant 0 : index
    %get3A_18 = vector.load %arg1[%get3A_16, %get3A_17] : memref<4096x128xf32, #tpu.memory_space<vmem>>, vector<4096x128xf32>
    %add3A_19 = arith.addf %add3A, %get3A_18 : vector<4096x128xf32>
    %iota3A = tpu.iota {dimensions = array<i32: 1>} : vector<4096x128xi32>
    %eq3A = arith.constant 0 : i32
    %eq3A_20 = vector.broadcast %eq3A : i32 to vector<4096x128xi32>
    %eq3A_21 = arith.cmpi eq, %iota3A, %eq3A_20 : vector<4096x128xi32>
    %get3A_22 = arith.constant 0 : index
    %get3A_23 = arith.constant 0 : index
    %get3A_24 = vector.load %arg1[%get3A_22, %get3A_23] : memref<4096x128xf32, #tpu.memory_space<vmem>>, vector<4096x1xf32>
    %add3A_25 = arith.addf %sub3A, %get3A_24 : vector<4096x1xf32>
    %broadcast_in_dim3A = vector.shape_cast %add3A_25 : vector<4096x1xf32> to vector<4096x1xf32>
    %broadcast_in_dim3A_26 = vector.broadcast %broadcast_in_dim3A : vector<4096x1xf32> to vector<4096x128xf32>
    %select_n3A = arith.select %eq3A_21, %broadcast_in_dim3A_26, %add3A_19 : vector<4096x128xi1>, vector<4096x128xf32>
    %div3A = vector.broadcast %add3A_15 : vector<4096x1xf32> to vector<4096x128xf32>
    %div3A_27 = arith.divf %select_n3A, %div3A : vector<4096x128xf32>
    %get3A_28 = arith.constant 0 : index
    %get3A_29 = arith.constant 0 : index
    %get3A_30 = vector.load %arg2[%get3A_28, %get3A_29] : memref<128x128xf32, #tpu.memory_space<vmem>>, vector<128x128xf32>
    %dot_general3A = arith.constant dense<0.000000e+00> : vector<4096x128xf32>
    %dot_general3A_31 = tpu.matmul %div3A_27, %get3A_30, %dot_general3A {dimension_numbers = #tpu.dot_dimension_numbers<[1], [0], [0], [1], [0, 0, 1, 1], [], []>, transpose_lhs_hint = false} : vector<4096x128xf32>, vector<128x128xf32>, vector<4096x128xf32> -> vector<4096x128xf32>
    %get3A_32 = arith.constant 0 : index
    %get3A_33 = arith.constant 0 : index
    %get3A_34 = vector.load %arg3[%get3A_32, %get3A_33] : memref<1x128xf32, #tpu.memory_space<vmem>>, vector<1x128xf32>
    %add3A_35 = vector.broadcast %get3A_34 : vector<1x128xf32> to vector<4096x128xf32>
    %add3A_36 = arith.addf %dot_general3A_31, %add3A_35 : vector<4096x128xf32>
    %max3A = arith.constant 0.000000e+00 : f32
    %max3A_37 = vector.broadcast %max3A : f32 to vector<4096x128xf32>
    %max3A_38 = arith.maximumf %add3A_36, %max3A_37 : vector<4096x128xf32>
    %swap3A = arith.constant 0 : index
    %swap3A_39 = arith.constant 0 : index
    %swap3A_40 = vector.load %arg4[%swap3A, %swap3A_39] : memref<4096x128xf32, #tpu.memory_space<vmem>>, vector<4096x128xf32>
    tpu.vector_store %arg4[%swap3A, %swap3A_39], %max3A_38 {strides = array<i32>} : memref<4096x128xf32, #tpu.memory_space<vmem>>, vector<4096x128xf32>,
    %swap3A_41 = arith.constant 0 : index
    %swap3A_42 = arith.constant 0 : index
    %swap3A_43 = vector.load %arg5[%swap3A_41, %swap3A_42] : memref<4096x1xf32, #tpu.memory_space<vmem>>, vector<4096x1xf32>
    tpu.vector_store %arg5[%swap3A_41, %swap3A_42], %add3A_15 {strides = array<i32>} : memref<4096x1xf32, #tpu.memory_space<vmem>>, vector<4096x1xf32>,
    return
  }
}

module attributes {stable_mosaic.version = 14 : i64} {
  func.func @_sample_body(%arg0: memref<512x128xf32, #tpu.memory_space<vmem>>, %arg1: memref<512x128xf32, #tpu.memory_space<vmem>>, %arg2: memref<512x128xi32, #tpu.memory_space<vmem>>, %arg3: memref<512x128xi32, #tpu.memory_space<vmem>>, %arg4: memref<4096x128xf32, #tpu.memory_space<vmem>>, %arg5: memref<1024x128xi32, #tpu.memory_space<vmem>>, %arg6: memref<1024x128xi32, #tpu.memory_space<vmem>>, %arg7: memref<4096x128xf32, #tpu.memory_space<vmem>>) attributes {dimension_semantics = [], scalar_prefetch = 0 : i64, scratch_operands = 0 : i64, tpu.core_type = #tpu.core_type<tc>} {
    %iota3A = tpu.iota {dimensions = array<i32: 0>} : vector<512x128xi32>
    %iota3A_0 = tpu.iota {dimensions = array<i32: 1>} : vector<512x128xi32>
    %mul3A = arith.constant 128 : i32
    %mul3A_1 = vector.broadcast %mul3A : i32 to vector<512x128xi32>
    %mul3A_2 = arith.muli %iota3A, %mul3A_1 : vector<512x128xi32>
    %add3A = arith.addi %mul3A_2, %iota3A_0 : vector<512x128xi32>
    %mul3A_3 = arith.constant 2 : i32
    %mul3A_4 = vector.broadcast %mul3A_3 : i32 to vector<512x128xi32>
    %mul3A_5 = arith.muli %mul3A_4, %add3A : vector<512x128xi32>
    %broadcast_in_dim3A = arith.constant 0 : i32
    %broadcast_in_dim3A_6 = vector.broadcast %broadcast_in_dim3A : i32 to vector<512x128xi32>
    %add3A_7 = arith.constant 0 : i32
    %add3A_8 = vector.broadcast %add3A_7 : i32 to vector<512x128xi32>
    %add3A_9 = arith.addi %broadcast_in_dim3A_6, %add3A_8 : vector<512x128xi32>
    %add3A_10 = arith.constant 42 : i32
    %add3A_11 = vector.broadcast %add3A_10 : i32 to vector<512x128xi32>
    %add3A_12 = arith.addi %mul3A_5, %add3A_11 : vector<512x128xi32>
    %add3A_13 = arith.addi %add3A_9, %add3A_12 : vector<512x128xi32>
    %shift_left3A = arith.constant 13 : i32
    %shift_left3A_14 = vector.broadcast %shift_left3A : i32 to vector<512x128xi32>
    %shift_left3A_15 = arith.shli %add3A_12, %shift_left3A_14 : vector<512x128xi32>
    %shift_right_logical3A = arith.constant 19 : i32
    %shift_right_logical3A_16 = vector.broadcast %shift_right_logical3A : i32 to vector<512x128xi32>
    %shift_right_logical3A_17 = arith.shrui %add3A_12, %shift_right_logical3A_16 : vector<512x128xi32>
    %or3A = arith.ori %shift_left3A_15, %shift_right_logical3A_17 : vector<512x128xi32>
    %xor3A = arith.xori %or3A, %add3A_13 : vector<512x128xi32>
    %add3A_18 = arith.addi %add3A_13, %xor3A : vector<512x128xi32>
    %shift_left3A_19 = arith.constant 15 : i32
    %shift_left3A_20 = vector.broadcast %shift_left3A_19 : i32 to vector<512x128xi32>
    %shift_left3A_21 = arith.shli %xor3A, %shift_left3A_20 : vector<512x128xi32>
    %shift_right_logical3A_22 = arith.constant 17 : i32
    %shift_right_logical3A_23 = vector.broadcast %shift_right_logical3A_22 : i32 to vector<512x128xi32>
    %shift_right_logical3A_24 = arith.shrui %xor3A, %shift_right_logical3A_23 : vector<512x128xi32>
    %or3A_25 = arith.ori %shift_left3A_21, %shift_right_logical3A_24 : vector<512x128xi32>
    %xor3A_26 = arith.xori %or3A_25, %add3A_18 : vector<512x128xi32>
    %add3A_27 = arith.addi %add3A_18, %xor3A_26 : vector<512x128xi32>
    %shift_left3A_28 = arith.constant 26 : i32
    %shift_left3A_29 = vector.broadcast %shift_left3A_28 : i32 to vector<512x128xi32>
    %shift_left3A_30 = arith.shli %xor3A_26, %shift_left3A_29 : vector<512x128xi32>
    %shift_right_logical3A_31 = arith.constant 6 : i32
    %shift_right_logical3A_32 = vector.broadcast %shift_right_logical3A_31 : i32 to vector<512x128xi32>
    %shift_right_logical3A_33 = arith.shrui %xor3A_26, %shift_right_logical3A_32 : vector<512x128xi32>
    %or3A_34 = arith.ori %shift_left3A_30, %shift_right_logical3A_33 : vector<512x128xi32>
    %xor3A_35 = arith.xori %or3A_34, %add3A_27 : vector<512x128xi32>
    %add3A_36 = arith.addi %add3A_27, %xor3A_35 : vector<512x128xi32>
    %shift_left3A_37 = arith.constant 6 : i32
    %shift_left3A_38 = vector.broadcast %shift_left3A_37 : i32 to vector<512x128xi32>
    %shift_left3A_39 = arith.shli %xor3A_35, %shift_left3A_38 : vector<512x128xi32>
    %shift_right_logical3A_40 = arith.constant 26 : i32
    %shift_right_logical3A_41 = vector.broadcast %shift_right_logical3A_40 : i32 to vector<512x128xi32>
    %shift_right_logical3A_42 = arith.shrui %xor3A_35, %shift_right_logical3A_41 : vector<512x128xi32>
    %or3A_43 = arith.ori %shift_left3A_39, %shift_right_logical3A_42 : vector<512x128xi32>
    %xor3A_44 = arith.xori %or3A_43, %add3A_36 : vector<512x128xi32>
    %add3A_45 = arith.constant 42 : i32
    %add3A_46 = vector.broadcast %add3A_45 : i32 to vector<512x128xi32>
    %add3A_47 = arith.addi %add3A_36, %add3A_46 : vector<512x128xi32>
    %add3A_48 = arith.constant 466689008 : i32
    %add3A_49 = vector.broadcast %add3A_48 : i32 to vector<512x128xi32>
    %add3A_50 = arith.addi %xor3A_44, %add3A_49 : vector<512x128xi32>
    %add3A_51 = arith.constant 1 : i32
    %add3A_52 = vector.broadcast %add3A_51 : i32 to vector<512x128xi32>
    %add3A_53 = arith.addi %add3A_50, %add3A_52 : vector<512x128xi32>
    %add3A_54 = arith.addi %add3A_47, %add3A_53 : vector<512x128xi32>
    %shift_left3A_55 = arith.constant 17 : i32
    %shift_left3A_56 = vector.broadcast %shift_left3A_55 : i32 to vector<512x128xi32>
    %shift_left3A_57 = arith.shli %add3A_53, %shift_left3A_56 : vector<512x128xi32>
    %shift_right_logical3A_58 = arith.constant 15 : i32
    %shift_right_logical3A_59 = vector.broadcast %shift_right_logical3A_58 : i32 to vector<512x128xi32>
    %shift_right_logical3A_60 = arith.shrui %add3A_53, %shift_right_logical3A_59 : vector<512x128xi32>
    %or3A_61 = arith.ori %shift_left3A_57, %shift_right_logical3A_60 : vector<512x128xi32>
    %xor3A_62 = arith.xori %or3A_61, %add3A_54 : vector<512x128xi32>
    %add3A_63 = arith.addi %add3A_54, %xor3A_62 : vector<512x128xi32>
    %shift_left3A_64 = arith.constant 29 : i32
    %shift_left3A_65 = vector.broadcast %shift_left3A_64 : i32 to vector<512x128xi32>
    %shift_left3A_66 = arith.shli %xor3A_62, %shift_left3A_65 : vector<512x128xi32>
    %shift_right_logical3A_67 = arith.constant 3 : i32
    %shift_right_logical3A_68 = vector.broadcast %shift_right_logical3A_67 : i32 to vector<512x128xi32>
    %shift_right_logical3A_69 = arith.shrui %xor3A_62, %shift_right_logical3A_68 : vector<512x128xi32>
    %or3A_70 = arith.ori %shift_left3A_66, %shift_right_logical3A_69 : vector<512x128xi32>
    %xor3A_71 = arith.xori %or3A_70, %add3A_63 : vector<512x128xi32>
    %add3A_72 = arith.addi %add3A_63, %xor3A_71 : vector<512x128xi32>
    %shift_left3A_73 = arith.constant 16 : i32
    %shift_left3A_74 = vector.broadcast %shift_left3A_73 : i32 to vector<512x128xi32>
    %shift_left3A_75 = arith.shli %xor3A_71, %shift_left3A_74 : vector<512x128xi32>
    %shift_right_logical3A_76 = arith.constant 16 : i32
    %shift_right_logical3A_77 = vector.broadcast %shift_right_logical3A_76 : i32 to vector<512x128xi32>
    %shift_right_logical3A_78 = arith.shrui %xor3A_71, %shift_right_logical3A_77 : vector<512x128xi32>
    %or3A_79 = arith.ori %shift_left3A_75, %shift_right_logical3A_78 : vector<512x128xi32>
    %xor3A_80 = arith.xori %or3A_79, %add3A_72 : vector<512x128xi32>
    %add3A_81 = arith.addi %add3A_72, %xor3A_80 : vector<512x128xi32>
    %shift_left3A_82 = arith.constant 24 : i32
    %shift_left3A_83 = vector.broadcast %shift_left3A_82 : i32 to vector<512x128xi32>
    %shift_left3A_84 = arith.shli %xor3A_80, %shift_left3A_83 : vector<512x128xi32>
    %shift_right_logical3A_85 = arith.constant 8 : i32
    %shift_right_logical3A_86 = vector.broadcast %shift_right_logical3A_85 : i32 to vector<512x128xi32>
    %shift_right_logical3A_87 = arith.shrui %xor3A_80, %shift_right_logical3A_86 : vector<512x128xi32>
    %or3A_88 = arith.ori %shift_left3A_84, %shift_right_logical3A_87 : vector<512x128xi32>
    %xor3A_89 = arith.xori %or3A_88, %add3A_81 : vector<512x128xi32>
    %add3A_90 = arith.constant 466689008 : i32
    %add3A_91 = vector.broadcast %add3A_90 : i32 to vector<512x128xi32>
    %add3A_92 = arith.addi %add3A_81, %add3A_91 : vector<512x128xi32>
    %add3A_93 = arith.constant 0 : i32
    %add3A_94 = vector.broadcast %add3A_93 : i32 to vector<512x128xi32>
    %add3A_95 = arith.addi %xor3A_89, %add3A_94 : vector<512x128xi32>
    %add3A_96 = arith.constant 2 : i32
    %add3A_97 = vector.broadcast %add3A_96 : i32 to vector<512x128xi32>
    %add3A_98 = arith.addi %add3A_95, %add3A_97 : vector<512x128xi32>
    %add3A_99 = arith.addi %add3A_92, %add3A_98 : vector<512x128xi32>
    %shift_left3A_100 = arith.constant 13 : i32
    %shift_left3A_101 = vector.broadcast %shift_left3A_100 : i32 to vector<512x128xi32>
    %shift_left3A_102 = arith.shli %add3A_98, %shift_left3A_101 : vector<512x128xi32>
    %shift_right_logical3A_103 = arith.constant 19 : i32
    %shift_right_logical3A_104 = vector.broadcast %shift_right_logical3A_103 : i32 to vector<512x128xi32>
    %shift_right_logical3A_105 = arith.shrui %add3A_98, %shift_right_logical3A_104 : vector<512x128xi32>
    %or3A_106 = arith.ori %shift_left3A_102, %shift_right_logical3A_105 : vector<512x128xi32>
    %xor3A_107 = arith.xori %or3A_106, %add3A_99 : vector<512x128xi32>
    %add3A_108 = arith.addi %add3A_99, %xor3A_107 : vector<512x128xi32>
    %shift_left3A_109 = arith.constant 15 : i32
    %shift_left3A_110 = vector.broadcast %shift_left3A_109 : i32 to vector<512x128xi32>
    %shift_left3A_111 = arith.shli %xor3A_107, %shift_left3A_110 : vector<512x128xi32>
    %shift_right_logical3A_112 = arith.constant 17 : i32
    %shift_right_logical3A_113 = vector.broadcast %shift_right_logical3A_112 : i32 to vector<512x128xi32>
    %shift_right_logical3A_114 = arith.shrui %xor3A_107, %shift_right_logical3A_113 : vector<512x128xi32>
    %or3A_115 = arith.ori %shift_left3A_111, %shift_right_logical3A_114 : vector<512x128xi32>
    %xor3A_116 = arith.xori %or3A_115, %add3A_108 : vector<512x128xi32>
    %add3A_117 = arith.addi %add3A_108, %xor3A_116 : vector<512x128xi32>
    %shift_left3A_118 = arith.constant 26 : i32
    %shift_left3A_119 = vector.broadcast %shift_left3A_118 : i32 to vector<512x128xi32>
    %shift_left3A_120 = arith.shli %xor3A_116, %shift_left3A_119 : vector<512x128xi32>
    %shift_right_logical3A_121 = arith.constant 6 : i32
    %shift_right_logical3A_122 = vector.broadcast %shift_right_logical3A_121 : i32 to vector<512x128xi32>
    %shift_right_logical3A_123 = arith.shrui %xor3A_116, %shift_right_logical3A_122 : vector<512x128xi32>
    %or3A_124 = arith.ori %shift_left3A_120, %shift_right_logical3A_123 : vector<512x128xi32>
    %xor3A_125 = arith.xori %or3A_124, %add3A_117 : vector<512x128xi32>
    %add3A_126 = arith.addi %add3A_117, %xor3A_125 : vector<512x128xi32>
    %shift_left3A_127 = arith.constant 6 : i32
    %shift_left3A_128 = vector.broadcast %shift_left3A_127 : i32 to vector<512x128xi32>
    %shift_left3A_129 = arith.shli %xor3A_125, %shift_left3A_128 : vector<512x128xi32>
    %shift_right_logical3A_130 = arith.constant 26 : i32
    %shift_right_logical3A_131 = vector.broadcast %shift_right_logical3A_130 : i32 to vector<512x128xi32>
    %shift_right_logical3A_132 = arith.shrui %xor3A_125, %shift_right_logical3A_131 : vector<512x128xi32>
    %or3A_133 = arith.ori %shift_left3A_129, %shift_right_logical3A_132 : vector<512x128xi32>
    %xor3A_134 = arith.xori %or3A_133, %add3A_126 : vector<512x128xi32>
    %add3A_135 = arith.constant 0 : i32
    %add3A_136 = vector.broadcast %add3A_135 : i32 to vector<512x128xi32>
    %add3A_137 = arith.addi %add3A_126, %add3A_136 : vector<512x128xi32>
    %add3A_138 = arith.constant 42 : i32
    %add3A_139 = vector.broadcast %add3A_138 : i32 to vector<512x128xi32>
    %add3A_140 = arith.addi %xor3A_134, %add3A_139 : vector<512x128xi32>
    %add3A_141 = arith.constant 3 : i32
    %add3A_142 = vector.broadcast %add3A_141 : i32 to vector<512x128xi32>
    %add3A_143 = arith.addi %add3A_140, %add3A_142 : vector<512x128xi32>
    %add3A_144 = arith.addi %add3A_137, %add3A_143 : vector<512x128xi32>
    %shift_left3A_145 = arith.constant 17 : i32
    %shift_left3A_146 = vector.broadcast %shift_left3A_145 : i32 to vector<512x128xi32>
    %shift_left3A_147 = arith.shli %add3A_143, %shift_left3A_146 : vector<512x128xi32>
    %shift_right_logical3A_148 = arith.constant 15 : i32
    %shift_right_logical3A_149 = vector.broadcast %shift_right_logical3A_148 : i32 to vector<512x128xi32>
    %shift_right_logical3A_150 = arith.shrui %add3A_143, %shift_right_logical3A_149 : vector<512x128xi32>
    %or3A_151 = arith.ori %shift_left3A_147, %shift_right_logical3A_150 : vector<512x128xi32>
    %xor3A_152 = arith.xori %or3A_151, %add3A_144 : vector<512x128xi32>
    %add3A_153 = arith.addi %add3A_144, %xor3A_152 : vector<512x128xi32>
    %shift_left3A_154 = arith.constant 29 : i32
    %shift_left3A_155 = vector.broadcast %shift_left3A_154 : i32 to vector<512x128xi32>
    %shift_left3A_156 = arith.shli %xor3A_152, %shift_left3A_155 : vector<512x128xi32>
    %shift_right_logical3A_157 = arith.constant 3 : i32
    %shift_right_logical3A_158 = vector.broadcast %shift_right_logical3A_157 : i32 to vector<512x128xi32>
    %shift_right_logical3A_159 = arith.shrui %xor3A_152, %shift_right_logical3A_158 : vector<512x128xi32>
    %or3A_160 = arith.ori %shift_left3A_156, %shift_right_logical3A_159 : vector<512x128xi32>
    %xor3A_161 = arith.xori %or3A_160, %add3A_153 : vector<512x128xi32>
    %add3A_162 = arith.addi %add3A_153, %xor3A_161 : vector<512x128xi32>
    %shift_left3A_163 = arith.constant 16 : i32
    %shift_left3A_164 = vector.broadcast %shift_left3A_163 : i32 to vector<512x128xi32>
    %shift_left3A_165 = arith.shli %xor3A_161, %shift_left3A_164 : vector<512x128xi32>
    %shift_right_logical3A_166 = arith.constant 16 : i32
    %shift_right_logical3A_167 = vector.broadcast %shift_right_logical3A_166 : i32 to vector<512x128xi32>
    %shift_right_logical3A_168 = arith.shrui %xor3A_161, %shift_right_logical3A_167 : vector<512x128xi32>
    %or3A_169 = arith.ori %shift_left3A_165, %shift_right_logical3A_168 : vector<512x128xi32>
    %xor3A_170 = arith.xori %or3A_169, %add3A_162 : vector<512x128xi32>
    %add3A_171 = arith.addi %add3A_162, %xor3A_170 : vector<512x128xi32>
    %shift_left3A_172 = arith.constant 24 : i32
    %shift_left3A_173 = vector.broadcast %shift_left3A_172 : i32 to vector<512x128xi32>
    %shift_left3A_174 = arith.shli %xor3A_170, %shift_left3A_173 : vector<512x128xi32>
    %shift_right_logical3A_175 = arith.constant 8 : i32
    %shift_right_logical3A_176 = vector.broadcast %shift_right_logical3A_175 : i32 to vector<512x128xi32>
    %shift_right_logical3A_177 = arith.shrui %xor3A_170, %shift_right_logical3A_176 : vector<512x128xi32>
    %or3A_178 = arith.ori %shift_left3A_174, %shift_right_logical3A_177 : vector<512x128xi32>
    %xor3A_179 = arith.xori %or3A_178, %add3A_171 : vector<512x128xi32>
    %add3A_180 = arith.constant 42 : i32
    %add3A_181 = vector.broadcast %add3A_180 : i32 to vector<512x128xi32>
    %add3A_182 = arith.addi %add3A_171, %add3A_181 : vector<512x128xi32>
    %add3A_183 = arith.constant 466689008 : i32
    %add3A_184 = vector.broadcast %add3A_183 : i32 to vector<512x128xi32>
    %add3A_185 = arith.addi %xor3A_179, %add3A_184 : vector<512x128xi32>
    %add3A_186 = arith.constant 4 : i32
    %add3A_187 = vector.broadcast %add3A_186 : i32 to vector<512x128xi32>
    %add3A_188 = arith.addi %add3A_185, %add3A_187 : vector<512x128xi32>
    %add3A_189 = arith.addi %add3A_182, %add3A_188 : vector<512x128xi32>
    %shift_left3A_190 = arith.constant 13 : i32
    %shift_left3A_191 = vector.broadcast %shift_left3A_190 : i32 to vector<512x128xi32>
    %shift_left3A_192 = arith.shli %add3A_188, %shift_left3A_191 : vector<512x128xi32>
    %shift_right_logical3A_193 = arith.constant 19 : i32
    %shift_right_logical3A_194 = vector.broadcast %shift_right_logical3A_193 : i32 to vector<512x128xi32>
    %shift_right_logical3A_195 = arith.shrui %add3A_188, %shift_right_logical3A_194 : vector<512x128xi32>
    %or3A_196 = arith.ori %shift_left3A_192, %shift_right_logical3A_195 : vector<512x128xi32>
    %xor3A_197 = arith.xori %or3A_196, %add3A_189 : vector<512x128xi32>
    %add3A_198 = arith.addi %add3A_189, %xor3A_197 : vector<512x128xi32>
    %shift_left3A_199 = arith.constant 15 : i32
    %shift_left3A_200 = vector.broadcast %shift_left3A_199 : i32 to vector<512x128xi32>
    %shift_left3A_201 = arith.shli %xor3A_197, %shift_left3A_200 : vector<512x128xi32>
    %shift_right_logical3A_202 = arith.constant 17 : i32
    %shift_right_logical3A_203 = vector.broadcast %shift_right_logical3A_202 : i32 to vector<512x128xi32>
    %shift_right_logical3A_204 = arith.shrui %xor3A_197, %shift_right_logical3A_203 : vector<512x128xi32>
    %or3A_205 = arith.ori %shift_left3A_201, %shift_right_logical3A_204 : vector<512x128xi32>
    %xor3A_206 = arith.xori %or3A_205, %add3A_198 : vector<512x128xi32>
    %add3A_207 = arith.addi %add3A_198, %xor3A_206 : vector<512x128xi32>
    %shift_left3A_208 = arith.constant 26 : i32
    %shift_left3A_209 = vector.broadcast %shift_left3A_208 : i32 to vector<512x128xi32>
    %shift_left3A_210 = arith.shli %xor3A_206, %shift_left3A_209 : vector<512x128xi32>
    %shift_right_logical3A_211 = arith.constant 6 : i32
    %shift_right_logical3A_212 = vector.broadcast %shift_right_logical3A_211 : i32 to vector<512x128xi32>
    %shift_right_logical3A_213 = arith.shrui %xor3A_206, %shift_right_logical3A_212 : vector<512x128xi32>
    %or3A_214 = arith.ori %shift_left3A_210, %shift_right_logical3A_213 : vector<512x128xi32>
    %xor3A_215 = arith.xori %or3A_214, %add3A_207 : vector<512x128xi32>
    %add3A_216 = arith.addi %add3A_207, %xor3A_215 : vector<512x128xi32>
    %shift_left3A_217 = arith.constant 6 : i32
    %shift_left3A_218 = vector.broadcast %shift_left3A_217 : i32 to vector<512x128xi32>
    %shift_left3A_219 = arith.shli %xor3A_215, %shift_left3A_218 : vector<512x128xi32>
    %shift_right_logical3A_220 = arith.constant 26 : i32
    %shift_right_logical3A_221 = vector.broadcast %shift_right_logical3A_220 : i32 to vector<512x128xi32>
    %shift_right_logical3A_222 = arith.shrui %xor3A_215, %shift_right_logical3A_221 : vector<512x128xi32>
    %or3A_223 = arith.ori %shift_left3A_219, %shift_right_logical3A_222 : vector<512x128xi32>
    %xor3A_224 = arith.xori %or3A_223, %add3A_216 : vector<512x128xi32>
    %add3A_225 = arith.constant 466689008 : i32
    %add3A_226 = vector.broadcast %add3A_225 : i32 to vector<512x128xi32>
    %add3A_227 = arith.addi %add3A_216, %add3A_226 : vector<512x128xi32>
    %add3A_228 = arith.constant 0 : i32
    %add3A_229 = vector.broadcast %add3A_228 : i32 to vector<512x128xi32>
    %add3A_230 = arith.addi %xor3A_224, %add3A_229 : vector<512x128xi32>
    %add3A_231 = arith.constant 5 : i32
    %add3A_232 = vector.broadcast %add3A_231 : i32 to vector<512x128xi32>
    %add3A_233 = arith.addi %add3A_230, %add3A_232 : vector<512x128xi32>
    %xor3A_234 = arith.xori %add3A_227, %add3A_233 : vector<512x128xi32>
    %shift_right_logical3A_235 = arith.constant 9 : i32
    %shift_right_logical3A_236 = vector.broadcast %shift_right_logical3A_235 : i32 to vector<512x128xi32>
    %shift_right_logical3A_237 = arith.shrui %xor3A_234, %shift_right_logical3A_236 : vector<512x128xi32>
    %or3A_238 = arith.constant 1065353216 : i32
    %or3A_239 = vector.broadcast %or3A_238 : i32 to vector<512x128xi32>
    %or3A_240 = arith.ori %shift_right_logical3A_237, %or3A_239 : vector<512x128xi32>
    %bitcast_convert_type3A = tpu.bitcast %or3A_240 : vector<512x128xi32> -> vector<512x128xf32>
    %sub3A = arith.constant 1.000000e+00 : f32
    %sub3A_241 = vector.broadcast %sub3A : f32 to vector<512x128xf32>
    %sub3A_242 = arith.subf %bitcast_convert_type3A, %sub3A_241 : vector<512x128xf32>
    %mul3A_243 = arith.constant 1.000000e+00 : f32
    %mul3A_244 = vector.broadcast %mul3A_243 : f32 to vector<512x128xf32>
    %mul3A_245 = arith.mulf %sub3A_242, %mul3A_244 : vector<512x128xf32>
    %add3A_246 = arith.constant 1.17549435E-38 : f32
    %add3A_247 = vector.broadcast %add3A_246 : f32 to vector<512x128xf32>
    %add3A_248 = arith.addf %mul3A_245, %add3A_247 : vector<512x128xf32>
    %max3A = arith.constant 1.17549435E-38 : f32
    %max3A_249 = vector.broadcast %max3A : f32 to vector<512x128xf32>
    %max3A_250 = arith.maximumf %max3A_249, %add3A_248 : vector<512x128xf32>
    %log3A = math.log %max3A_250 : vector<512x128xf32>
    %neg3A = arith.constant 0.000000e+00 : f32
    %neg3A_251 = vector.broadcast %neg3A : f32 to vector<512x128xf32>
    %neg3A_252 = arith.subf %neg3A_251, %log3A : vector<512x128xf32>
    %log3A_253 = math.log %neg3A_252 : vector<512x128xf32>
    %neg3A_254 = arith.constant 0.000000e+00 : f32
    %neg3A_255 = vector.broadcast %neg3A_254 : f32 to vector<512x128xf32>
    %neg3A_256 = arith.subf %neg3A_255, %log3A_253 : vector<512x128xf32>
    %mul3A_257 = arith.constant 2 : i32
    %mul3A_258 = vector.broadcast %mul3A_257 : i32 to vector<512x128xi32>
    %mul3A_259 = arith.muli %mul3A_258, %add3A : vector<512x128xi32>
    %add3A_260 = arith.constant 1 : i32
    %add3A_261 = vector.broadcast %add3A_260 : i32 to vector<512x128xi32>
    %add3A_262 = arith.addi %mul3A_259, %add3A_261 : vector<512x128xi32>
    %broadcast_in_dim3A_263 = arith.constant 0 : i32
    %broadcast_in_dim3A_264 = vector.broadcast %broadcast_in_dim3A_263 : i32 to vector<512x128xi32>
    %add3A_265 = arith.constant 0 : i32
    %add3A_266 = vector.broadcast %add3A_265 : i32 to vector<512x128xi32>
    %add3A_267 = arith.addi %broadcast_in_dim3A_264, %add3A_266 : vector<512x128xi32>
    %add3A_268 = arith.constant 42 : i32
    %add3A_269 = vector.broadcast %add3A_268 : i32 to vector<512x128xi32>
    %add3A_270 = arith.addi %add3A_262, %add3A_269 : vector<512x128xi32>
    %add3A_271 = arith.addi %add3A_267, %add3A_270 : vector<512x128xi32>
    %shift_left3A_272 = arith.constant 13 : i32
    %shift_left3A_273 = vector.broadcast %shift_left3A_272 : i32 to vector<512x128xi32>
    %shift_left3A_274 = arith.shli %add3A_270, %shift_left3A_273 : vector<512x128xi32>
    %shift_right_logical3A_275 = arith.constant 19 : i32
    %shift_right_logical3A_276 = vector.broadcast %shift_right_logical3A_275 : i32 to vector<512x128xi32>
    %shift_right_logical3A_277 = arith.shrui %add3A_270, %shift_right_logical3A_276 : vector<512x128xi32>
    %or3A_278 = arith.ori %shift_left3A_274, %shift_right_logical3A_277 : vector<512x128xi32>
    %xor3A_279 = arith.xori %or3A_278, %add3A_271 : vector<512x128xi32>
    %add3A_280 = arith.addi %add3A_271, %xor3A_279 : vector<512x128xi32>
    %shift_left3A_281 = arith.constant 15 : i32
    %shift_left3A_282 = vector.broadcast %shift_left3A_281 : i32 to vector<512x128xi32>
    %shift_left3A_283 = arith.shli %xor3A_279, %shift_left3A_282 : vector<512x128xi32>
    %shift_right_logical3A_284 = arith.constant 17 : i32
    %shift_right_logical3A_285 = vector.broadcast %shift_right_logical3A_284 : i32 to vector<512x128xi32>
    %shift_right_logical3A_286 = arith.shrui %xor3A_279, %shift_right_logical3A_285 : vector<512x128xi32>
    %or3A_287 = arith.ori %shift_left3A_283, %shift_right_logical3A_286 : vector<512x128xi32>
    %xor3A_288 = arith.xori %or3A_287, %add3A_280 : vector<512x128xi32>
    %add3A_289 = arith.addi %add3A_280, %xor3A_288 : vector<512x128xi32>
    %shift_left3A_290 = arith.constant 26 : i32
    %shift_left3A_291 = vector.broadcast %shift_left3A_290 : i32 to vector<512x128xi32>
    %shift_left3A_292 = arith.shli %xor3A_288, %shift_left3A_291 : vector<512x128xi32>
    %shift_right_logical3A_293 = arith.constant 6 : i32
    %shift_right_logical3A_294 = vector.broadcast %shift_right_logical3A_293 : i32 to vector<512x128xi32>
    %shift_right_logical3A_295 = arith.shrui %xor3A_288, %shift_right_logical3A_294 : vector<512x128xi32>
    %or3A_296 = arith.ori %shift_left3A_292, %shift_right_logical3A_295 : vector<512x128xi32>
    %xor3A_297 = arith.xori %or3A_296, %add3A_289 : vector<512x128xi32>
    %add3A_298 = arith.addi %add3A_289, %xor3A_297 : vector<512x128xi32>
    %shift_left3A_299 = arith.constant 6 : i32
    %shift_left3A_300 = vector.broadcast %shift_left3A_299 : i32 to vector<512x128xi32>
    %shift_left3A_301 = arith.shli %xor3A_297, %shift_left3A_300 : vector<512x128xi32>
    %shift_right_logical3A_302 = arith.constant 26 : i32
    %shift_right_logical3A_303 = vector.broadcast %shift_right_logical3A_302 : i32 to vector<512x128xi32>
    %shift_right_logical3A_304 = arith.shrui %xor3A_297, %shift_right_logical3A_303 : vector<512x128xi32>
    %or3A_305 = arith.ori %shift_left3A_301, %shift_right_logical3A_304 : vector<512x128xi32>
    %xor3A_306 = arith.xori %or3A_305, %add3A_298 : vector<512x128xi32>
    %add3A_307 = arith.constant 42 : i32
    %add3A_308 = vector.broadcast %add3A_307 : i32 to vector<512x128xi32>
    %add3A_309 = arith.addi %add3A_298, %add3A_308 : vector<512x128xi32>
    %add3A_310 = arith.constant 466689008 : i32
    %add3A_311 = vector.broadcast %add3A_310 : i32 to vector<512x128xi32>
    %add3A_312 = arith.addi %xor3A_306, %add3A_311 : vector<512x128xi32>
    %add3A_313 = arith.constant 1 : i32
    %add3A_314 = vector.broadcast %add3A_313 : i32 to vector<512x128xi32>
    %add3A_315 = arith.addi %add3A_312, %add3A_314 : vector<512x128xi32>
    %add3A_316 = arith.addi %add3A_309, %add3A_315 : vector<512x128xi32>
    %shift_left3A_317 = arith.constant 17 : i32
    %shift_left3A_318 = vector.broadcast %shift_left3A_317 : i32 to vector<512x128xi32>
    %shift_left3A_319 = arith.shli %add3A_315, %shift_left3A_318 : vector<512x128xi32>
    %shift_right_logical3A_320 = arith.constant 15 : i32
    %shift_right_logical3A_321 = vector.broadcast %shift_right_logical3A_320 : i32 to vector<512x128xi32>
    %shift_right_logical3A_322 = arith.shrui %add3A_315, %shift_right_logical3A_321 : vector<512x128xi32>
    %or3A_323 = arith.ori %shift_left3A_319, %shift_right_logical3A_322 : vector<512x128xi32>
    %xor3A_324 = arith.xori %or3A_323, %add3A_316 : vector<512x128xi32>
    %add3A_325 = arith.addi %add3A_316, %xor3A_324 : vector<512x128xi32>
    %shift_left3A_326 = arith.constant 29 : i32
    %shift_left3A_327 = vector.broadcast %shift_left3A_326 : i32 to vector<512x128xi32>
    %shift_left3A_328 = arith.shli %xor3A_324, %shift_left3A_327 : vector<512x128xi32>
    %shift_right_logical3A_329 = arith.constant 3 : i32
    %shift_right_logical3A_330 = vector.broadcast %shift_right_logical3A_329 : i32 to vector<512x128xi32>
    %shift_right_logical3A_331 = arith.shrui %xor3A_324, %shift_right_logical3A_330 : vector<512x128xi32>
    %or3A_332 = arith.ori %shift_left3A_328, %shift_right_logical3A_331 : vector<512x128xi32>
    %xor3A_333 = arith.xori %or3A_332, %add3A_325 : vector<512x128xi32>
    %add3A_334 = arith.addi %add3A_325, %xor3A_333 : vector<512x128xi32>
    %shift_left3A_335 = arith.constant 16 : i32
    %shift_left3A_336 = vector.broadcast %shift_left3A_335 : i32 to vector<512x128xi32>
    %shift_left3A_337 = arith.shli %xor3A_333, %shift_left3A_336 : vector<512x128xi32>
    %shift_right_logical3A_338 = arith.constant 16 : i32
    %shift_right_logical3A_339 = vector.broadcast %shift_right_logical3A_338 : i32 to vector<512x128xi32>
    %shift_right_logical3A_340 = arith.shrui %xor3A_333, %shift_right_logical3A_339 : vector<512x128xi32>
    %or3A_341 = arith.ori %shift_left3A_337, %shift_right_logical3A_340 : vector<512x128xi32>
    %xor3A_342 = arith.xori %or3A_341, %add3A_334 : vector<512x128xi32>
    %add3A_343 = arith.addi %add3A_334, %xor3A_342 : vector<512x128xi32>
    %shift_left3A_344 = arith.constant 24 : i32
    %shift_left3A_345 = vector.broadcast %shift_left3A_344 : i32 to vector<512x128xi32>
    %shift_left3A_346 = arith.shli %xor3A_342, %shift_left3A_345 : vector<512x128xi32>
    %shift_right_logical3A_347 = arith.constant 8 : i32
    %shift_right_logical3A_348 = vector.broadcast %shift_right_logical3A_347 : i32 to vector<512x128xi32>
    %shift_right_logical3A_349 = arith.shrui %xor3A_342, %shift_right_logical3A_348 : vector<512x128xi32>
    %or3A_350 = arith.ori %shift_left3A_346, %shift_right_logical3A_349 : vector<512x128xi32>
    %xor3A_351 = arith.xori %or3A_350, %add3A_343 : vector<512x128xi32>
    %add3A_352 = arith.constant 466689008 : i32
    %add3A_353 = vector.broadcast %add3A_352 : i32 to vector<512x128xi32>
    %add3A_354 = arith.addi %add3A_343, %add3A_353 : vector<512x128xi32>
    %add3A_355 = arith.constant 0 : i32
    %add3A_356 = vector.broadcast %add3A_355 : i32 to vector<512x128xi32>
    %add3A_357 = arith.addi %xor3A_351, %add3A_356 : vector<512x128xi32>
    %add3A_358 = arith.constant 2 : i32
    %add3A_359 = vector.broadcast %add3A_358 : i32 to vector<512x128xi32>
    %add3A_360 = arith.addi %add3A_357, %add3A_359 : vector<512x128xi32>
    %add3A_361 = arith.addi %add3A_354, %add3A_360 : vector<512x128xi32>
    %shift_left3A_362 = arith.constant 13 : i32
    %shift_left3A_363 = vector.broadcast %shift_left3A_362 : i32 to vector<512x128xi32>
    %shift_left3A_364 = arith.shli %add3A_360, %shift_left3A_363 : vector<512x128xi32>
    %shift_right_logical3A_365 = arith.constant 19 : i32
    %shift_right_logical3A_366 = vector.broadcast %shift_right_logical3A_365 : i32 to vector<512x128xi32>
    %shift_right_logical3A_367 = arith.shrui %add3A_360, %shift_right_logical3A_366 : vector<512x128xi32>
    %or3A_368 = arith.ori %shift_left3A_364, %shift_right_logical3A_367 : vector<512x128xi32>
    %xor3A_369 = arith.xori %or3A_368, %add3A_361 : vector<512x128xi32>
    %add3A_370 = arith.addi %add3A_361, %xor3A_369 : vector<512x128xi32>
    %shift_left3A_371 = arith.constant 15 : i32
    %shift_left3A_372 = vector.broadcast %shift_left3A_371 : i32 to vector<512x128xi32>
    %shift_left3A_373 = arith.shli %xor3A_369, %shift_left3A_372 : vector<512x128xi32>
    %shift_right_logical3A_374 = arith.constant 17 : i32
    %shift_right_logical3A_375 = vector.broadcast %shift_right_logical3A_374 : i32 to vector<512x128xi32>
    %shift_right_logical3A_376 = arith.shrui %xor3A_369, %shift_right_logical3A_375 : vector<512x128xi32>
    %or3A_377 = arith.ori %shift_left3A_373, %shift_right_logical3A_376 : vector<512x128xi32>
    %xor3A_378 = arith.xori %or3A_377, %add3A_370 : vector<512x128xi32>
    %add3A_379 = arith.addi %add3A_370, %xor3A_378 : vector<512x128xi32>
    %shift_left3A_380 = arith.constant 26 : i32
    %shift_left3A_381 = vector.broadcast %shift_left3A_380 : i32 to vector<512x128xi32>
    %shift_left3A_382 = arith.shli %xor3A_378, %shift_left3A_381 : vector<512x128xi32>
    %shift_right_logical3A_383 = arith.constant 6 : i32
    %shift_right_logical3A_384 = vector.broadcast %shift_right_logical3A_383 : i32 to vector<512x128xi32>
    %shift_right_logical3A_385 = arith.shrui %xor3A_378, %shift_right_logical3A_384 : vector<512x128xi32>
    %or3A_386 = arith.ori %shift_left3A_382, %shift_right_logical3A_385 : vector<512x128xi32>
    %xor3A_387 = arith.xori %or3A_386, %add3A_379 : vector<512x128xi32>
    %add3A_388 = arith.addi %add3A_379, %xor3A_387 : vector<512x128xi32>
    %shift_left3A_389 = arith.constant 6 : i32
    %shift_left3A_390 = vector.broadcast %shift_left3A_389 : i32 to vector<512x128xi32>
    %shift_left3A_391 = arith.shli %xor3A_387, %shift_left3A_390 : vector<512x128xi32>
    %shift_right_logical3A_392 = arith.constant 26 : i32
    %shift_right_logical3A_393 = vector.broadcast %shift_right_logical3A_392 : i32 to vector<512x128xi32>
    %shift_right_logical3A_394 = arith.shrui %xor3A_387, %shift_right_logical3A_393 : vector<512x128xi32>
    %or3A_395 = arith.ori %shift_left3A_391, %shift_right_logical3A_394 : vector<512x128xi32>
    %xor3A_396 = arith.xori %or3A_395, %add3A_388 : vector<512x128xi32>
    %add3A_397 = arith.constant 0 : i32
    %add3A_398 = vector.broadcast %add3A_397 : i32 to vector<512x128xi32>
    %add3A_399 = arith.addi %add3A_388, %add3A_398 : vector<512x128xi32>
    %add3A_400 = arith.constant 42 : i32
    %add3A_401 = vector.broadcast %add3A_400 : i32 to vector<512x128xi32>
    %add3A_402 = arith.addi %xor3A_396, %add3A_401 : vector<512x128xi32>
    %add3A_403 = arith.constant 3 : i32
    %add3A_404 = vector.broadcast %add3A_403 : i32 to vector<512x128xi32>
    %add3A_405 = arith.addi %add3A_402, %add3A_404 : vector<512x128xi32>
    %add3A_406 = arith.addi %add3A_399, %add3A_405 : vector<512x128xi32>
    %shift_left3A_407 = arith.constant 17 : i32
    %shift_left3A_408 = vector.broadcast %shift_left3A_407 : i32 to vector<512x128xi32>
    %shift_left3A_409 = arith.shli %add3A_405, %shift_left3A_408 : vector<512x128xi32>
    %shift_right_logical3A_410 = arith.constant 15 : i32
    %shift_right_logical3A_411 = vector.broadcast %shift_right_logical3A_410 : i32 to vector<512x128xi32>
    %shift_right_logical3A_412 = arith.shrui %add3A_405, %shift_right_logical3A_411 : vector<512x128xi32>
    %or3A_413 = arith.ori %shift_left3A_409, %shift_right_logical3A_412 : vector<512x128xi32>
    %xor3A_414 = arith.xori %or3A_413, %add3A_406 : vector<512x128xi32>
    %add3A_415 = arith.addi %add3A_406, %xor3A_414 : vector<512x128xi32>
    %shift_left3A_416 = arith.constant 29 : i32
    %shift_left3A_417 = vector.broadcast %shift_left3A_416 : i32 to vector<512x128xi32>
    %shift_left3A_418 = arith.shli %xor3A_414, %shift_left3A_417 : vector<512x128xi32>
    %shift_right_logical3A_419 = arith.constant 3 : i32
    %shift_right_logical3A_420 = vector.broadcast %shift_right_logical3A_419 : i32 to vector<512x128xi32>
    %shift_right_logical3A_421 = arith.shrui %xor3A_414, %shift_right_logical3A_420 : vector<512x128xi32>
    %or3A_422 = arith.ori %shift_left3A_418, %shift_right_logical3A_421 : vector<512x128xi32>
    %xor3A_423 = arith.xori %or3A_422, %add3A_415 : vector<512x128xi32>
    %add3A_424 = arith.addi %add3A_415, %xor3A_423 : vector<512x128xi32>
    %shift_left3A_425 = arith.constant 16 : i32
    %shift_left3A_426 = vector.broadcast %shift_left3A_425 : i32 to vector<512x128xi32>
    %shift_left3A_427 = arith.shli %xor3A_423, %shift_left3A_426 : vector<512x128xi32>
    %shift_right_logical3A_428 = arith.constant 16 : i32
    %shift_right_logical3A_429 = vector.broadcast %shift_right_logical3A_428 : i32 to vector<512x128xi32>
    %shift_right_logical3A_430 = arith.shrui %xor3A_423, %shift_right_logical3A_429 : vector<512x128xi32>
    %or3A_431 = arith.ori %shift_left3A_427, %shift_right_logical3A_430 : vector<512x128xi32>
    %xor3A_432 = arith.xori %or3A_431, %add3A_424 : vector<512x128xi32>
    %add3A_433 = arith.addi %add3A_424, %xor3A_432 : vector<512x128xi32>
    %shift_left3A_434 = arith.constant 24 : i32
    %shift_left3A_435 = vector.broadcast %shift_left3A_434 : i32 to vector<512x128xi32>
    %shift_left3A_436 = arith.shli %xor3A_432, %shift_left3A_435 : vector<512x128xi32>
    %shift_right_logical3A_437 = arith.constant 8 : i32
    %shift_right_logical3A_438 = vector.broadcast %shift_right_logical3A_437 : i32 to vector<512x128xi32>
    %shift_right_logical3A_439 = arith.shrui %xor3A_432, %shift_right_logical3A_438 : vector<512x128xi32>
    %or3A_440 = arith.ori %shift_left3A_436, %shift_right_logical3A_439 : vector<512x128xi32>
    %xor3A_441 = arith.xori %or3A_440, %add3A_433 : vector<512x128xi32>
    %add3A_442 = arith.constant 42 : i32
    %add3A_443 = vector.broadcast %add3A_442 : i32 to vector<512x128xi32>
    %add3A_444 = arith.addi %add3A_433, %add3A_443 : vector<512x128xi32>
    %add3A_445 = arith.constant 466689008 : i32
    %add3A_446 = vector.broadcast %add3A_445 : i32 to vector<512x128xi32>
    %add3A_447 = arith.addi %xor3A_441, %add3A_446 : vector<512x128xi32>
    %add3A_448 = arith.constant 4 : i32
    %add3A_449 = vector.broadcast %add3A_448 : i32 to vector<512x128xi32>
    %add3A_450 = arith.addi %add3A_447, %add3A_449 : vector<512x128xi32>
    %add3A_451 = arith.addi %add3A_444, %add3A_450 : vector<512x128xi32>
    %shift_left3A_452 = arith.constant 13 : i32
    %shift_left3A_453 = vector.broadcast %shift_left3A_452 : i32 to vector<512x128xi32>
    %shift_left3A_454 = arith.shli %add3A_450, %shift_left3A_453 : vector<512x128xi32>
    %shift_right_logical3A_455 = arith.constant 19 : i32
    %shift_right_logical3A_456 = vector.broadcast %shift_right_logical3A_455 : i32 to vector<512x128xi32>
    %shift_right_logical3A_457 = arith.shrui %add3A_450, %shift_right_logical3A_456 : vector<512x128xi32>
    %or3A_458 = arith.ori %shift_left3A_454, %shift_right_logical3A_457 : vector<512x128xi32>
    %xor3A_459 = arith.xori %or3A_458, %add3A_451 : vector<512x128xi32>
    %add3A_460 = arith.addi %add3A_451, %xor3A_459 : vector<512x128xi32>
    %shift_left3A_461 = arith.constant 15 : i32
    %shift_left3A_462 = vector.broadcast %shift_left3A_461 : i32 to vector<512x128xi32>
    %shift_left3A_463 = arith.shli %xor3A_459, %shift_left3A_462 : vector<512x128xi32>
    %shift_right_logical3A_464 = arith.constant 17 : i32
    %shift_right_logical3A_465 = vector.broadcast %shift_right_logical3A_464 : i32 to vector<512x128xi32>
    %shift_right_logical3A_466 = arith.shrui %xor3A_459, %shift_right_logical3A_465 : vector<512x128xi32>
    %or3A_467 = arith.ori %shift_left3A_463, %shift_right_logical3A_466 : vector<512x128xi32>
    %xor3A_468 = arith.xori %or3A_467, %add3A_460 : vector<512x128xi32>
    %add3A_469 = arith.addi %add3A_460, %xor3A_468 : vector<512x128xi32>
    %shift_left3A_470 = arith.constant 26 : i32
    %shift_left3A_471 = vector.broadcast %shift_left3A_470 : i32 to vector<512x128xi32>
    %shift_left3A_472 = arith.shli %xor3A_468, %shift_left3A_471 : vector<512x128xi32>
    %shift_right_logical3A_473 = arith.constant 6 : i32
    %shift_right_logical3A_474 = vector.broadcast %shift_right_logical3A_473 : i32 to vector<512x128xi32>
    %shift_right_logical3A_475 = arith.shrui %xor3A_468, %shift_right_logical3A_474 : vector<512x128xi32>
    %or3A_476 = arith.ori %shift_left3A_472, %shift_right_logical3A_475 : vector<512x128xi32>
    %xor3A_477 = arith.xori %or3A_476, %add3A_469 : vector<512x128xi32>
    %add3A_478 = arith.addi %add3A_469, %xor3A_477 : vector<512x128xi32>
    %shift_left3A_479 = arith.constant 6 : i32
    %shift_left3A_480 = vector.broadcast %shift_left3A_479 : i32 to vector<512x128xi32>
    %shift_left3A_481 = arith.shli %xor3A_477, %shift_left3A_480 : vector<512x128xi32>
    %shift_right_logical3A_482 = arith.constant 26 : i32
    %shift_right_logical3A_483 = vector.broadcast %shift_right_logical3A_482 : i32 to vector<512x128xi32>
    %shift_right_logical3A_484 = arith.shrui %xor3A_477, %shift_right_logical3A_483 : vector<512x128xi32>
    %or3A_485 = arith.ori %shift_left3A_481, %shift_right_logical3A_484 : vector<512x128xi32>
    %xor3A_486 = arith.xori %or3A_485, %add3A_478 : vector<512x128xi32>
    %add3A_487 = arith.constant 466689008 : i32
    %add3A_488 = vector.broadcast %add3A_487 : i32 to vector<512x128xi32>
    %add3A_489 = arith.addi %add3A_478, %add3A_488 : vector<512x128xi32>
    %add3A_490 = arith.constant 0 : i32
    %add3A_491 = vector.broadcast %add3A_490 : i32 to vector<512x128xi32>
    %add3A_492 = arith.addi %xor3A_486, %add3A_491 : vector<512x128xi32>
    %add3A_493 = arith.constant 5 : i32
    %add3A_494 = vector.broadcast %add3A_493 : i32 to vector<512x128xi32>
    %add3A_495 = arith.addi %add3A_492, %add3A_494 : vector<512x128xi32>
    %xor3A_496 = arith.xori %add3A_489, %add3A_495 : vector<512x128xi32>
    %shift_right_logical3A_497 = arith.constant 9 : i32
    %shift_right_logical3A_498 = vector.broadcast %shift_right_logical3A_497 : i32 to vector<512x128xi32>
    %shift_right_logical3A_499 = arith.shrui %xor3A_496, %shift_right_logical3A_498 : vector<512x128xi32>
    %or3A_500 = arith.constant 1065353216 : i32
    %or3A_501 = vector.broadcast %or3A_500 : i32 to vector<512x128xi32>
    %or3A_502 = arith.ori %shift_right_logical3A_499, %or3A_501 : vector<512x128xi32>
    %bitcast_convert_type3A_503 = tpu.bitcast %or3A_502 : vector<512x128xi32> -> vector<512x128xf32>
    %sub3A_504 = arith.constant 1.000000e+00 : f32
    %sub3A_505 = vector.broadcast %sub3A_504 : f32 to vector<512x128xf32>
    %sub3A_506 = arith.subf %bitcast_convert_type3A_503, %sub3A_505 : vector<512x128xf32>
    %mul3A_507 = arith.constant 1.000000e+00 : f32
    %mul3A_508 = vector.broadcast %mul3A_507 : f32 to vector<512x128xf32>
    %mul3A_509 = arith.mulf %sub3A_506, %mul3A_508 : vector<512x128xf32>
    %add3A_510 = arith.constant 1.17549435E-38 : f32
    %add3A_511 = vector.broadcast %add3A_510 : f32 to vector<512x128xf32>
    %add3A_512 = arith.addf %mul3A_509, %add3A_511 : vector<512x128xf32>
    %max3A_513 = arith.constant 1.17549435E-38 : f32
    %max3A_514 = vector.broadcast %max3A_513 : f32 to vector<512x128xf32>
    %max3A_515 = arith.maximumf %max3A_514, %add3A_512 : vector<512x128xf32>
    %log3A_516 = math.log %max3A_515 : vector<512x128xf32>
    %neg3A_517 = arith.constant 0.000000e+00 : f32
    %neg3A_518 = vector.broadcast %neg3A_517 : f32 to vector<512x128xf32>
    %neg3A_519 = arith.subf %neg3A_518, %log3A_516 : vector<512x128xf32>
    %log3A_520 = math.log %neg3A_519 : vector<512x128xf32>
    %neg3A_521 = arith.constant 0.000000e+00 : f32
    %neg3A_522 = vector.broadcast %neg3A_521 : f32 to vector<512x128xf32>
    %neg3A_523 = arith.subf %neg3A_522, %log3A_520 : vector<512x128xf32>
    %get3A = arith.constant 0 : index
    %get3A_524 = arith.constant 0 : index
    %get3A_525 = vector.load %arg0[%get3A, %get3A_524] : memref<512x128xf32, #tpu.memory_space<vmem>>, vector<512x128xf32>
    %get3A_526 = arith.constant 0 : index
    %get3A_527 = arith.constant 0 : index
    %get3A_528 = vector.load %arg1[%get3A_526, %get3A_527] : memref<512x128xf32, #tpu.memory_space<vmem>>, vector<512x128xf32>
    %max3A_529 = arith.maximumf %get3A_525, %get3A_528 : vector<512x128xf32>
    %sub3A_530 = arith.subf %get3A_525, %max3A_529 : vector<512x128xf32>
    %exp3A = math.exp %sub3A_530 : vector<512x128xf32>
    %sub3A_531 = arith.subf %get3A_528, %max3A_529 : vector<512x128xf32>
    %exp3A_532 = math.exp %sub3A_531 : vector<512x128xf32>
    %add3A_533 = arith.addf %exp3A, %exp3A_532 : vector<512x128xf32>
    %div3A = arith.divf %exp3A, %add3A_533 : vector<512x128xf32>
    %add3A_534 = arith.constant 9.99999968E-21 : f32
    %add3A_535 = vector.broadcast %add3A_534 : f32 to vector<512x128xf32>
    %add3A_536 = arith.addf %div3A, %add3A_535 : vector<512x128xf32>
    %log3A_537 = math.log %add3A_536 : vector<512x128xf32>
    %div3A_538 = arith.divf %exp3A_532, %add3A_533 : vector<512x128xf32>
    %add3A_539 = arith.constant 9.99999968E-21 : f32
    %add3A_540 = vector.broadcast %add3A_539 : f32 to vector<512x128xf32>
    %add3A_541 = arith.addf %div3A_538, %add3A_540 : vector<512x128xf32>
    %log3A_542 = math.log %add3A_541 : vector<512x128xf32>
    %add3A_543 = arith.addf %log3A_542, %neg3A_523 : vector<512x128xf32>
    %add3A_544 = arith.addf %log3A_537, %neg3A_256 : vector<512x128xf32>
    %gt3A = arith.cmpf ogt, %add3A_543, %add3A_544 : vector<512x128xf32>
    %get3A_545 = arith.constant 0 : index
    %get3A_546 = arith.constant 0 : index
    %get3A_547 = vector.load %arg2[%get3A_545, %get3A_546] : memref<512x128xi32, #tpu.memory_space<vmem>>, vector<512x128xi32>
    %get3A_548 = arith.constant 0 : index
    %get3A_549 = arith.constant 0 : index
    %get3A_550 = vector.load %arg3[%get3A_548, %get3A_549] : memref<512x128xi32, #tpu.memory_space<vmem>>, vector<512x128xi32>
    %swap3A = arith.constant 0 : index
    %swap3A_551 = arith.constant 0 : index
    %swap3A_552 = vector.load %arg5[%swap3A, %swap3A_551] : memref<1024x128xi32, #tpu.memory_space<vmem>>, vector<512x128xi32>
    tpu.vector_store %arg5[%swap3A, %swap3A_551], %get3A_550 {strides = array<i32>} : memref<1024x128xi32, #tpu.memory_space<vmem>>, vector<512x128xi32>,
    %swap3A_553 = arith.constant 512 : index
    %swap3A_554 = arith.constant 0 : index
    %swap3A_555 = vector.load %arg5[%swap3A_553, %swap3A_554] : memref<1024x128xi32, #tpu.memory_space<vmem>>, vector<512x128xi32>
    tpu.vector_store %arg5[%swap3A_553, %swap3A_554], %get3A_547 {strides = array<i32>} : memref<1024x128xi32, #tpu.memory_space<vmem>>, vector<512x128xi32>,
    %jit3A = arith.constant 4096 : i32
    %broadcast_in_dim3A_556 = vector.broadcast %jit3A : i32 to vector<512x128xi32>
    %select_n3A = arith.select %gt3A, %get3A_547, %broadcast_in_dim3A_556 : vector<512x128xi1>, vector<512x128xi32>
    %swap3A_557 = arith.constant 0 : index
    %swap3A_558 = arith.constant 0 : index
    %swap3A_559 = vector.load %arg6[%swap3A_557, %swap3A_558] : memref<1024x128xi32, #tpu.memory_space<vmem>>, vector<512x128xi32>
    tpu.vector_store %arg6[%swap3A_557, %swap3A_558], %select_n3A {strides = array<i32>} : memref<1024x128xi32, #tpu.memory_space<vmem>>, vector<512x128xi32>,
    %jit3A_560 = arith.constant 4096 : i32
    %broadcast_in_dim3A_561 = vector.broadcast %jit3A_560 : i32 to vector<512x128xi32>
    %select_n3A_562 = arith.select %gt3A, %get3A_550, %broadcast_in_dim3A_561 : vector<512x128xi1>, vector<512x128xi32>
    %swap3A_563 = arith.constant 512 : index
    %swap3A_564 = arith.constant 0 : index
    %swap3A_565 = vector.load %arg6[%swap3A_563, %swap3A_564] : memref<1024x128xi32, #tpu.memory_space<vmem>>, vector<512x128xi32>
    tpu.vector_store %arg6[%swap3A_563, %swap3A_564], %select_n3A_562 {strides = array<i32>} : memref<1024x128xi32, #tpu.memory_space<vmem>>, vector<512x128xi32>,
    %get3A_566 = arith.constant 0 : index
    %get3A_567 = arith.constant 0 : index
    %get3A_568 = vector.load %arg4[%get3A_566, %get3A_567] : memref<4096x128xf32, #tpu.memory_space<vmem>>, vector<4096x128xf32>
    %iota3A_569 = tpu.iota {dimensions = array<i32: 1>} : vector<4096x128xi32>
    %eq3A = arith.constant 0 : i32
    %eq3A_570 = vector.broadcast %eq3A : i32 to vector<4096x128xi32>
    %eq3A_571 = arith.cmpi eq, %iota3A_569, %eq3A_570 : vector<4096x128xi32>
    %add3A_572 = arith.constant 1.638400e+04 : f32
    %add3A_573 = vector.broadcast %add3A_572 : f32 to vector<4096x128xf32>
    %add3A_574 = arith.addf %get3A_568, %add3A_573 : vector<4096x128xf32>
    %select_n3A_575 = arith.select %eq3A_571, %add3A_574, %get3A_568 : vector<4096x128xi1>, vector<4096x128xf32>
    %swap3A_576 = arith.constant 0 : index
    %swap3A_577 = arith.constant 0 : index
    %swap3A_578 = vector.load %arg7[%swap3A_576, %swap3A_577] : memref<4096x128xf32, #tpu.memory_space<vmem>>, vector<4096x128xf32>
    tpu.vector_store %arg7[%swap3A_576, %swap3A_577], %select_n3A_575 {strides = array<i32>} : memref<4096x128xf32, #tpu.memory_space<vmem>>, vector<4096x128xf32>,
    return
  }
}

module attributes {stable_mosaic.version = 14 : i64} {
  func.func @_dense2_body(%arg0: memref<8208x128xf32, #tpu.memory_space<vmem>>, %arg1: memref<4096x128xf32, #tpu.memory_space<vmem>>, %arg2: memref<4096x1xf32, #tpu.memory_space<vmem>>, %arg3: memref<128x16xf32, #tpu.memory_space<vmem>>, %arg4: memref<1x16xf32, #tpu.memory_space<vmem>>, %arg5: memref<4096x1xi32, #tpu.memory_space<vmem>>, %arg6: memref<1x1xf32, #tpu.memory_space<vmem>>) attributes {dimension_semantics = [], scalar_prefetch = 0 : i64, scratch_operands = 0 : i64, tpu.core_type = #tpu.core_type<tc>} {
    %get3A = arith.constant 0 : index
    %get3A_0 = arith.constant 0 : index
    %get3A_1 = vector.load %arg0[%get3A, %get3A_0] : memref<8208x128xf32, #tpu.memory_space<vmem>>, vector<4096x128xf32>
    %get3A_2 = arith.constant 4104 : index
    %get3A_3 = arith.constant 0 : index
    %get3A_4 = vector.load %arg0[%get3A_2, %get3A_3] : memref<8208x128xf32, #tpu.memory_space<vmem>>, vector<4096x128xf32>
    %add3A = arith.addf %get3A_1, %get3A_4 : vector<4096x128xf32>
    %get3A_5 = arith.constant 0 : index
    %get3A_6 = arith.constant 0 : index
    %get3A_7 = vector.load %arg1[%get3A_5, %get3A_6] : memref<4096x128xf32, #tpu.memory_space<vmem>>, vector<4096x128xf32>
    %add3A_8 = arith.addf %add3A, %get3A_7 : vector<4096x128xf32>
    %get3A_9 = arith.constant 0 : index
    %get3A_10 = arith.constant 0 : index
    %get3A_11 = vector.load %arg2[%get3A_9, %get3A_10] : memref<4096x1xf32, #tpu.memory_space<vmem>>, vector<4096x1xf32>
    %div3A = vector.broadcast %get3A_11 : vector<4096x1xf32> to vector<4096x128xf32>
    %div3A_12 = arith.divf %add3A_8, %div3A : vector<4096x128xf32>
    %get3A_13 = arith.constant 0 : index
    %get3A_14 = arith.constant 0 : index
    %get3A_15 = vector.load %arg3[%get3A_13, %get3A_14] : memref<128x16xf32, #tpu.memory_space<vmem>>, vector<128x16xf32>
    %dot_general3A = arith.constant dense<0.000000e+00> : vector<4096x16xf32>
    %dot_general3A_16 = tpu.matmul %div3A_12, %get3A_15, %dot_general3A {dimension_numbers = #tpu.dot_dimension_numbers<[1], [0], [0], [1], [0, 0, 1, 1], [], []>, transpose_lhs_hint = false} : vector<4096x128xf32>, vector<128x16xf32>, vector<4096x16xf32> -> vector<4096x16xf32>
    %get3A_17 = arith.constant 0 : index
    %get3A_18 = arith.constant 0 : index
    %get3A_19 = vector.load %arg4[%get3A_17, %get3A_18] : memref<1x16xf32, #tpu.memory_space<vmem>>, vector<1x16xf32>
    %add3A_20 = vector.broadcast %get3A_19 : vector<1x16xf32> to vector<4096x16xf32>
    %add3A_21 = arith.addf %dot_general3A_16, %add3A_20 : vector<4096x16xf32>
    %reduce_max3A = arith.constant dense<0xFF800000> : vector<4096xf32>
    %reduce_max3A_22 = vector.multi_reduction <maximumf>, %add3A_21, %reduce_max3A [1] : vector<4096x16xf32> to vector<4096xf32>
    %broadcast_in_dim3A = vector.shape_cast %reduce_max3A_22 : vector<4096xf32> to vector<4096x1xf32>
    %sub3A = vector.broadcast %broadcast_in_dim3A : vector<4096x1xf32> to vector<4096x16xf32>
    %sub3A_23 = arith.subf %add3A_21, %sub3A : vector<4096x16xf32>
    %exp3A = math.exp %sub3A_23 : vector<4096x16xf32>
    %reduce_sum3A = arith.constant dense<0.000000e+00> : vector<4096xf32>
    %reduce_sum3A_24 = vector.multi_reduction <add>, %exp3A, %reduce_sum3A [1] : vector<4096x16xf32> to vector<4096xf32>
    %broadcast_in_dim3A_25 = vector.shape_cast %reduce_sum3A_24 : vector<4096xf32> to vector<4096x1xf32>
    %log3A = math.log %broadcast_in_dim3A_25 : vector<4096x1xf32>
    %add3A_26 = arith.addf %broadcast_in_dim3A, %log3A : vector<4096x1xf32>
    %sub3A_27 = vector.broadcast %add3A_26 : vector<4096x1xf32> to vector<4096x16xf32>
    %sub3A_28 = arith.subf %add3A_21, %sub3A_27 : vector<4096x16xf32>
    %iota3A = tpu.iota {dimensions = array<i32: 1>} : vector<4096x16xi32>
    %get3A_29 = arith.constant 0 : index
    %get3A_30 = arith.constant 0 : index
    %get3A_31 = vector.load %arg5[%get3A_29, %get3A_30] : memref<4096x1xi32, #tpu.memory_space<vmem>>, vector<4096x1xi32>
    %eq3A = vector.broadcast %get3A_31 : vector<4096x1xi32> to vector<4096x16xi32>
    %eq3A_32 = arith.cmpi eq, %iota3A, %eq3A : vector<4096x16xi32>
    %jit3A = arith.constant 0.000000e+00 : f32
    %broadcast_in_dim3A_33 = vector.broadcast %jit3A : f32 to vector<4096x16xf32>
    %select_n3A = arith.select %eq3A_32, %sub3A_28, %broadcast_in_dim3A_33 : vector<4096x16xi1>, vector<4096x16xf32>
    %reduce_sum3A_34 = vector.shape_cast %select_n3A : vector<4096x16xf32> to vector<1x4096x16xf32>
    %reduce_sum3A_35 = arith.constant dense<0.000000e+00> : vector<1xf32>
    %reduce_sum3A_36 = vector.multi_reduction <add>, %reduce_sum3A_34, %reduce_sum3A_35 [1, 2] : vector<1x4096x16xf32> to vector<1xf32>
    %reduce_sum3A_37 = vector.shape_cast %reduce_sum3A_36 : vector<1xf32> to vector<1x1x1xf32>
    %reduce_sum3A_38 = vector.extract %reduce_sum3A_37[0, 0, 0] : f32 from vector<1x1x1xf32>
    %neg3A = arith.constant 0.000000e+00 : f32
    %neg3A_39 = arith.subf %neg3A, %reduce_sum3A_38 : f32
    %div3A_40 = arith.constant 4.096000e+03 : f32
    %div3A_41 = arith.divf %neg3A_39, %div3A_40 : f32
    %reshape3A = vector.broadcast %div3A_41 : f32 to vector<1x1xf32>
    %swap3A = arith.constant 0 : index
    %swap3A_42 = arith.constant 0 : index
    %swap3A_43 = vector.load %arg6[%swap3A, %swap3A_42] : memref<1x1xf32, #tpu.memory_space<vmem>>, vector<1x1xf32>
    tpu.vector_store %arg6[%swap3A, %swap3A_42], %reshape3A {strides = array<i32>} : memref<1x1xf32, #tpu.memory_space<vmem>>, vector<1x1xf32>,
    return
  }
}

</mosaic_0001>

<sc_bundles>
// kernel: kernel.10.cloned.1.call-start
scs
__scs_entry_jumppad:
0x0: {  	(pc) =	sbr.rel $0x88, $3  }
0x1: {  	(tag) =	ssettag $0x0;
	lr =	simm.s32 $0x1  }
0x2: {  	[smem:$0x3F98] =	sst lr;
	_ =	strace $0xD0000000  }
0x3: {  	_ = 	snop  }
0x4: {  	_ = 	snop  }
0x5: {  	_ = 	snop  }
0x6: {  	_ = 	snop  }
0x7: {  	_ = 	snop  }
__scs_overlays_trampoline_lowered:
0x8: {  	[smem:$0x3FA7] =	sst s0  }
0x9: {  	[smem:$0x3FA8] =	sst s1  }
0xa: {  	[smem:$0x3FA9] =	sst s2  }
0xb: {  	[smem:$0x3FAA] =	sst s3  }
0xc: {  	[smem:$0x3FAB] =	sst s4  }
0xd: {  	[smem:$0x3FAC] =	sst s5  }
0xe: {  	[smem:$0x3FAD] =	sst s6  }
0xf: {  	[smem:$0x3FAE] =	sst s7  }
0x10: {  	[smem:$0x3FAF] =	sst s8  }
0x11: {  	[smem:$0x3FB0] =	sst s9;
	s0 =	simm.s32 @!p0 $0x0  }
0x12: {  	s1 =	sld [smem:$0x3F96];
	s0 =	simm.s32 @p0 $0x1  }
0x13: {  	[smem:$0x3FB1] =	sst s0;
	s0 =	simm.s32 @!p1 $0x0  }
0x14: {  	s2 =	sld [smem:$0x3F95];
	s0 =	simm.s32 @p1 $0x1  }
0x15: {  	[smem:$0x3FB2] =	sst s0;
	s0 =	simm.s32 @!p2 $0x0  }
0x16: {  	s3 =	sld [smem:$0x3FDB];
	s0 =	simm.s32 @p2 $0x1  }
0x17: {  	s4 =	simm.s32 $0x1BF5;
	[smem:$0x3FB4] =	sst s0  }
0x18: {  	s0 =	sld [smem:$0x3F97];
	_ =	swait.ge [sflag:s4], $0x0  }
0x19: {  	s7 =	sld [smem:$0x3F98]  }
0x1a: {  	s8 =	sadd.s32 $0xFFFFE003, lr  }
0x1b: {  	s9 =	sadd.s32 $0xFFFFFEF7, lr;
	s5 =	simm.s32 $0xFFFFFFFF;
	p2 =	slt.u32 s8, $0xFFFFF086  }
0x1c: {  	p1 =	slt.u32 s9, $0xF7A;
	s5 =	simm.s32 @!p2 $0x0  }
0x1d: {  	s5 =	simm.s32 @p1 $0x1;
	p0 =	seq.s32 s7, s2  }
0x1e: {  	s7 =	smul.u32 @!p0 $0xF7A, s2;
	p2 =	seq.s32 @!p0 s5, $0x0  }
0x1f: {  	s9 =	smul.u32 $0xF7A, s1;
	s8 =	simm.s32 @!p0 $0x1BF5;
	p2 =	por !p2, p0  }
0x20: {  	[sflag:s8] =	ssyncset.s32 @!p0 $0xFFFFF086;
	s6 =	sadd.s32 @!p0 s3, s7;
	s7 =	simm.s32 @!p0 $0x108  }
0x21: {  	s3 =	sadd.s32 s3, s9;
	s6 =	sadd.s32 @!p0 $0x88, s6;
	s7 =	simm.s32 @p2 $0x1082  }
0x22: {  	[simem:s7], [sflag:s8] =	dma.local @!p0 [hbm:s6], $0xF7A  }
0x23: {  	s9 =	sor.u32 $0xD0000000, s2;
	s6 =	simm.s32 $0x108;
	_ =	swait.ge @!p0 [sflag:s8], $0x0  }
0x24: {  	s3 =	sadd.s32 $0x88, s3;
	s6 =	simm.s32 @!p1 $0x1082;
	[sflag:s4] =	ssyncset.s32 $0xFFFFF086  }
0x25: {  	[simem:s6], [sflag:s4] =	dma.local [hbm:s3], $0xF7A  }
0x26: {  	[smem:$0x3F98] =	sst s1;
	(tag) =	ssettag s2;
	_ =	strace s9  }
0x27: {  	s1 =	sld [smem:$0x3FA8]  }
0x28: {  	s2 =	sld [smem:$0x3FA9]  }
0x29: {  	s4 =	sld [smem:$0x3FAB]  }
0x2a: {  	p0 =	seq.s32 s5, $0x0;
	s5 =	sld [smem:$0x3FAC]  }
0x2b: {  	s6 =	sld [smem:$0x3FAD]  }
0x2c: {  	s7 =	sld [smem:$0x3FAE]  }
0x2d: {  	s3 =	simm.s32 $0x108;
	s8 =	sld [smem:$0x3FAF]  }
0x2e: {  	s3 =	simm.s32 @!p0 $0x1082;
	s9 =	sld [smem:$0x3FB0]  }
0x2f: {  	lr =	sadd.s32 s0, s3;
	s0 =	sld [smem:$0x3FA7]  }
0x30: {  	s3 =	sld [smem:$0x3FAA]  }
0x31: {  	[smem:$0x3FB3] =	sst s10  }
0x32: {  	s10 =	sld [smem:$0x3FB1];
	_ =	sdelay $0x3  }
0x33: {  	p0 =	seq.s32 s10, $0x1;
	s10 =	sld [smem:$0x3FB3];
	_ =	sdelay $0x3  }
0x34: {  	[smem:$0x3FB3] =	sst s10  }
0x35: {  	s10 =	sld [smem:$0x3FB2];
	_ =	sdelay $0x3  }
0x36: {  	p1 =	seq.s32 s10, $0x1;
	s10 =	sld [smem:$0x3FB3];
	_ =	sdelay $0x3  }
0x37: {  	[smem:$0x3FB3] =	sst s10  }
0x38: {  	s10 =	sld [smem:$0x3FB4]  }
0x39: {  	_ = 	snop;
	(pc) =	sbr.ind lr, $3  }
0x3a: {  	_ = 	snop  }
0x3b: {  	_ = 	snop  }
0x3c: {  	p2 =	seq.s32 s10, $0x1;
	s10 =	sld [smem:$0x3FB3]  }
0x3d: {  	_ =	shalt  }
0x3e: {  	_ =	shalt  }
0x3f: {  	_ =	shalt  }
0x40: {  	_ =	shalt  }
0x41: {  	_ =	shalt  }
0x42: {  	_ =	shalt  }
0x43: {  	_ =	shalt  }
0x44: {  	_ =	shalt  }
0x45: {  	_ =	shalt  }
0x46: {  	_ =	shalt  }
0x47: {  	_ =	shalt  }
0x48: {  	_ =	shalt  }
0x49: {  	_ =	shalt  }
0x4a: {  	_ =	shalt  }
0x4b: {  	_ =	shalt  }
0x4c: {  	_ =	shalt  }
0x4d: {  	_ =	shalt  }
0x4e: {  	_ =	shalt  }
0x4f: {  	_ =	shalt  }
0x50: {  	_ =	shalt  }
0x51: {  	_ =	shalt  }
0x52: {  	_ =	shalt  }
0x53: {  	_ =	shalt  }
0x54: {  	_ =	shalt  }
0x55: {  	_ =	shalt  }
0x56: {  	_ =	shalt  }
0x57: {  	_ =	shalt  }
0x58: {  	_ =	shalt  }
0x59: {  	_ =	shalt  }
0x5a: {  	_ =	shalt  }
0x5b: {  	_ =	shalt  }
0x5c: {  	_ =	shalt  }
0x5d: {  	_ =	shalt  }
0x5e: {  	_ =	shalt  }
0x5f: {  	_ =	shalt  }
0x60: {  	_ =	shalt  }
0x61: {  	_ =	shalt  }
0x62: {  	_ =	shalt  }
0x63: {  	_ =	shalt  }
0x64: {  	_ =	shalt  }
0x65: {  	_ =	shalt  }
0x66: {  	_ =	shalt  }
0x67: {  	_ =	shalt  }
0x68: {  	_ =	shalt  }
0x69: {  	_ =	shalt  }
0x6a: {  	_ =	shalt  }
0x6b: {  	_ =	shalt  }
0x6c: {  	_ =	shalt  }
0x6d: {  	_ =	shalt  }
0x6e: {  	_ =	shalt  }
0x6f: {  	_ =	shalt  }
0x70: {  	_ =	shalt  }
0x71: {  	_ =	shalt  }
0x72: {  	_ =	shalt  }
0x73: {  	_ =	shalt  }
0x74: {  	_ =	shalt  }
0x75: {  	_ =	shalt  }
0x76: {  	_ =	shalt  }
0x77: {  	_ =	shalt  }
0x78: {  	_ =	shalt  }
0x79: {  	_ =	shalt  }
0x7a: {  	_ =	shalt  }
0x7b: {  	_ =	shalt  }
0x7c: {  	_ =	shalt  }
0x7d: {  	_ =	shalt  }
0x7e: {  	_ =	shalt  }
0x7f: {  	_ =	shalt  }
0x80: {  	_ =	shalt  }
0x81: {  	_ =	shalt  }
0x82: {  	_ =	shalt  }
0x83: {  	_ =	shalt  }
0x84: {  	_ =	shalt  }
0x85: {  	_ =	shalt  }
0x86: {  	_ =	shalt  }
0x87: {  	_ =	shalt  }
.Lfunc_end0:
.L_simem_size_0:
called_computation.1_lowered:
.L_overlay_start_0:
0x88: {  	s2 =	sld [smem:$0x3FD9]  }
0x89: {  	s3 =	sld [smem:$0x3FFE];
	_ =	sdelay $0x1  }
0x8a: {  	s1 =	srdreg.scid  }
0x8b: {  	s0 =	sand.u32 $0x1, s1  }
0x8c: {  	s16 =	sshll.u32 s0, $0xA;
	s2 =	sadd.s32 s3, s2  }
0x8d: {  	s2 =	sadd.s32 s2, s16  }
0x8e: {  	[smem:$0x3FBF] =	sst s2  }
0x8f: {  	_ = 	snop  }
0x90: {  	(tm) =	ssettm $0x1  }
0x91: {  	s17 =	sld [smem:$0x3FFB];
	_ =	sdelay $0x3  }
0x92: {  	_ =	strace s17  }
0x93: {  	s2 =	sld [smem:$0x3FFC];
	_ =	sdelay $0x3  }
0x94: {  	_ =	strace s2  }
0x95: {  	s2 =	sld [smem:$0x3FFD];
	_ =	sdelay $0x3  }
0x96: {  	_ =	strace s2  }
0x97: {  	_ =	strace $0x8FFFFFFF  }
0x98: {  	s18 =	sld [smem:$0x3FDB];
	_ =	sdelay $0x1  }
0x99: {  	s19 =	simm.s32 $_scs_section_size  }
0x9a: {  	s4 =	simm.s32 $_size__tile_overlayer_lowered;
	s5 =	simm.s32 $_tile_overlayer_lowered  }
0x9b: {  	s22 =	simm.s32 $0x1BFF;
	s21 =	sshll.u32 s5, $0x1;
	s2 =	sadd.s32 s19, s18  }
0x9c: {  	s6 =	simm.s32 $0x0;
	s20 =	sshll.u32 s4, $0x1;
	s4 =	sadd.s32 s21, s2  }
0x9d: {  	[timem:s6], [sflag:s22] =	dma.local [hbm:s4], s20  }
0x9e: {  	_ =	swait.ge [sflag:s22], s20  }
0x9f: {  	s3 =	ssub.s32 $0x0, s20;
	[sflag:s22] =	ssyncset.done $0x0  }
0xa0: {  	[sflag:s22] =	ssyncadd.s32 s3;
	_ =	sdelay $0x1  }
0xa1: {  	s23 =	simm.s32 $0x1B8B  }
0xa2: {  	_ =	swait.ge [sflag:s23], $0x1  }
0xa3: {  	[sflag:s23] =	ssyncset.done $0x0  }
0xa4: {  	s25 =	simm.s32 $0x1B8E;
	s24 =	sld [smem:$0x3FFE];
	[sflag:s23] =	ssyncadd.s32 $0xFFFFFFFF  }
0xa5: {  	s26 =	simm.s32 $execute0_lowered;
	[smem:$0x3FD2] =	sst s25  }
0xa6: {  	s4 =	sshll.u32 s26, $0x1;
	_ =	strace $0x80000049;
	[dreg:$0x1] =	wrdreg $0xFFFFFFFF  }
0xa7: {  	s28 =	simm.s32 $_size_execute0_lowered;
	s2 =	sadd.s32 s2, s4;
	[dreg:$0x0] =	wrdreg $0x0  }
0xa8: {  	s4 =	sshll.u32 s28, $0x1;
	[dreg:$0x2] =	wrdreg s2  }
0xa9: {  	[dreg:$0x3] =	wrdreg s4  }
0xaa: {  	[dreg:$0x4] =	wrdreg $0xC0  }
0xab: {  	_ =	task [dreg:s6], $0x5FFFF  }
0xac: {  	[dreg:$0x1] =	wrdreg $0xFFFFFFFF  }
0xad: {  	[dreg:$0x0] =	wrdreg $0x60  }
0xae: {  	[dreg:$0x2] =	wrdreg s24  }
0xaf: {  	[dreg:$0x3] =	wrdreg $0x120000  }
0xb0: {  	[dreg:$0x4] =	wrdreg $0x9  }
0xb1: {  	_ =	task.clear_ibuf [dreg:s6], $0x5FFFF;
	_ =	strace $0x90000049  }
0xb2: {  	s29 =	simm.s32 $0x9;
	_ =	strace $0x8000004B  }
0xb3: {  	_ =	swait.ge [sflag:s29], $0x1  }
0xb4: {  	[sflag:s29] =	ssyncadd.s32 $0xFFFFFFFF  }
0xb5: {  	_ =	strace $0x9000004B  }
0xb6: {  	_ =	sfence  }
0xb7: {  	s30 =	sld [smem:$0x0];
	_ =	sdelay $0x2  }
0xb8: {  	s31 =	sshll.u32 s1, $0xD;
	s1 =	sshrl.u32 s1, $0x2  }
0xb9: {  	s3 =	sand.u32 $0x4000, s31;
	s1 =	sadd.s32 s1, s30  }
0xba: {  	s0 =	sor.u32 s3, s0;
	s1 =	sshll.u32 s1, $0x11  }
0xbb: {  	s0 =	sor.u32 s1, s0  }
0xbc: {  	s0 =	sadd.s32 $0x8F2B, s0  }
0xbd: {  	[sflag:s0] =	ssyncadd.remote.s32 $0x1  }
0xbe: {  	_ =	sfence.sel $0xFFFF  }
0xbf: {  	[dreg:$0x0] =	wrdreg $0xFFFFFFFF;
	(pc) =	sbr.abs _section_cstart, $3  }
0xc0: {  	[dreg:$0x1] =	wrdreg $0xFFFFFFFF  }
0xc1: {  	_ =	task.clear_ibuf [dreg:s6], $0x2FFFF;
	_ =	strace $0x9FFFFFFF  }
0xc2: {  	(tm) =	ssettm $0x7FFFFFFF  }
0xc3: {  	_ =	shalt  }
tec
execute0_lowered:
.L_overlay_start_1:
0x0: {  	(tag) =	ssettag $0x1  }
0x1: {  	s5 =	rddreg [dreg:$0x0]  }
0x2: {  	s1 =	rddreg [dreg:$0x1]  }
0x3: {  	s0 =	rddreg [dreg:$0x2];
	s2 =	simm.s32 $0x0;
	s3 =	srdreg.scid  }
0x4: {  	s12 =	simm.s32 $0x2;
	s13 =	simm.s32 $0x80;
	s14 =	simm.s32 $0x2000  }
0x5: {  	s15 =	simm.s32 $0x6000;
	s16 =	simm.s32 $0xA000;
	s17 =	simm.s32 $0x3  }
0x6: {  	s18 =	simm.s32 $0x1F00;
	s19 =	simm.s32 $0x1F80;
	s22 =	simm.s32 $0x0  }
0x7: {  	[smem:$0x7FF] =	sst s2;
	s6 =	sand.u32 $0x1, s3;
	s4 =	sadd.s32 $0x2E00, s5  }
0x8: {  	s3 =	stileid.u32;
	_ =	strace $0x8000004A;
	s7 =	smul.u32 $0x80400, s6  }
0x9: {  	s8 =	sshll.u32 s6, $0xD;
	s9 =	sshll.u32 s3, $0x9;
	s10 =	sshll.u32 s3, $0xF  }
0xa: {  	s6 =	ssub.s32 $0x2, s6;
	s20 =	sshll.u32 s3, $0x6;
	s8 =	sor.u32 s9, s8  }
0xb: {  	s31 =	sshrl.u32 s6, $0x1;
	s20 =	sor.u32 $0x1C03, s20;
	s7 =	sadd.s32 s10, s7  }
0xc: {  	s8 =	sadd.s32 s8, s5;
	s9 =	ssub.s32 s6, s31;
	s7 =	sshrl.u32 s7, $0x3  }
0xd: {  	s6 =	sadd.s32 $0x16E00, s8;
	s9 =	smax.u32 s9, $0x1;
	s11 =	sadd.s32 s7, s5  }
0xe: {  	s5 =	sadd.s32 $0x12E00, s8;
	s7 =	sadd.s32 s10, s1;
	s10 =	simm.s32 $0x1000  }
0xf: {  	v0 =	vimm.f32 $0.0e+00;
	s8 =	sadd.s32 $0x1AE00, s11;
	s11 =	simm.s32 $0x1;
	s21 =	sshrl.u32 s7, $0x3  }
.LBB2_1:
0x10: {  	[tilespmem:s2], [sflag:$0x1] =	stream.linear.gather [hbm4b:s5+s2], $0x1000, $0x38;
	[tilespmem:$0x1A040] =	vst v63  }
0x11: {  	s23 =	simm.s32 $0x0;
	s24 =	simm.s32 $0x200  }
0x12: {  	[tilespmem:s10], [sflag:$0x2] =	stream.linear.gather [hbm4b:s6+s2], $0x1000, $0x38;
	[tilespmem:$0x1A040] =	vst v63  }
.LBB2_2:
0x13: {  	p0 =	sne.s32 s24, $0x1FE00;
	[tilespmem:s23+$0xA070] =	vst v0  }
0x14: {  	[tilespmem:s23+$0xA000] =	vst v0  }
0x15: {  	[tilespmem:s23+$0xA010] =	vst v0  }
.Ltmp0:
0x16: {  	[tilespmem:s23+$0xA020] =	vst v0;
	(pc) =	sbr.rel @p0 .LBB2_2-.Ltmp0, $4  }
0x17: {  	[tilespmem:s23+$0xA030] =	vst v0  }
0x18: {  	[tilespmem:s23+$0xA040] =	vst v0  }
0x19: {  	[tilespmem:s23+$0xA050] =	vst v0  }
0x1a: {  	[tilespmem:s23+$0xA060] =	vst v0;
	s23 =	sshra.s32 s24, $0x2;
	s24 =	sadd.s32 $0x200, s24  }
0x1b: {  	[tilespmem:s23+$0xA070] =	vst v0  }
0x1c: {  	[tilespmem:s23+$0xA000] =	vst v0  }
0x1d: {  	[tilespmem:s23+$0xA010] =	vst v0  }
0x1e: {  	[tilespmem:s23+$0xA020] =	vst v0  }
0x1f: {  	[tilespmem:s23+$0xA030] =	vst v0  }
0x20: {  	[tilespmem:s23+$0xA040] =	vst v0  }
0x21: {  	[tilespmem:s23+$0xA050] =	vst v0  }
0x22: {  	[tilespmem:s23+$0xA060] =	vst v0  }
0x23: {  	_ =	swait.ge [sflag:s11], $0x1000  }
0x24: {  	[sflag:s11] =	ssyncset.done $0x0  }
0x25: {  	[sflag:s11] =	ssyncadd.s32 $0xFFFFF000  }
0x26: {  	_ =	swait.ge [sflag:s12], $0x1000  }
0x27: {  	[sflag:s12] =	ssyncset.done $0x0  }
0x28: {  	s28 =	simm.s32 $0x0;
	[sflag:s12] =	ssyncadd.s32 $0xFFFFF000  }
0x29: {  	[tilespmem:s14], [sflag:$0x1] =	stream.indirect.gather [hbm4b:s4+s13], $0x80, s28, s13, $0xb8;
	[tilespmem:$0x1A040] =	vst v63  }
0x2a: {  	_ = 	snop  }
0x2b: {  	[tilespmem:s15], [sflag:$0x2] =	stream.indirect.gather [hbm4b:s4+s13], $0x80, s13, s13, $0xb8;
	[tilespmem:$0x1A040] =	vst v63  }
0x2c: {  	_ = 	snop  }
0x2d: {  	[spmem:s7] =	stream.linear.scatter [tilespmem:s16], [sflag:$0x3], $0x8000, $0x38;
	[tilespmem:$0x1A040] =	vst v63  }
0x2e: {  	_ =	swait.ge [sflag:s17], $0x8000  }
0x2f: {  	[sflag:s17] =	ssyncset.done $0x0  }
0x30: {  	[sflag:s17] =	ssyncadd.s32 $0xFFFF8000  }
0x31: {  	[bflag:$0x0] =	sbarrier.arrive $0xFFFF  }
0x32: {  	_ =	swait.ge [sflag:s11], $0x4000  }
0x33: {  	[sflag:s11] =	ssyncset.done $0x0  }
0x34: {  	s29 =	simm.s32 $0x1000;
	[sflag:s11] =	ssyncadd.s32 $0xFFFFC000  }
0x35: {  	[spmem:s1] =	stream.indirect.scatter.add.f32 [tilespmem:s14], [sflag:$0x3], $0x80, s29, s13, $0xb8;
	[tilespmem:$0x1A040] =	vst v63  }
0x36: {  	_ =	swait.ge [sflag:s17], $0x4000  }
0x37: {  	[sflag:s17] =	ssyncset.done $0x0  }
0x38: {  	s30 =	simm.s32 $0x100;
	[sflag:s17] =	ssyncadd.s32 $0xFFFFC000  }
0x39: {  	[tilespmem:s14], [sflag:$0x1] =	stream.indirect.gather [hbm4b:s4+s13], $0x80, s30, s13, $0xb8;
	[tilespmem:$0x1A040] =	vst v63  }
0x3a: {  	_ =	swait.ge [sflag:s12], $0x4000  }
0x3b: {  	[sflag:s12] =	ssyncset.done $0x0  }
0x3c: {  	s31 =	simm.s32 $0x1080;
	[sflag:s12] =	ssyncadd.s32 $0xFFFFC000  }
0x3d: {  	[spmem:s1] =	stream.indirect.scatter.add.f32 [tilespmem:s15], [sflag:$0x3], $0x80, s31, s13, $0xb8;
	[tilespmem:$0x1A040] =	vst v63  }
0x3e: {  	_ =	swait.ge [sflag:s17], $0x4000  }
0x3f: {  	[sflag:s17] =	ssyncset.done $0x0  }
0x40: {  	s23 =	simm.s32 $0x400;
	s24 =	simm.s32 $0x180;
	[sflag:s17] =	ssyncadd.s32 $0xFFFFC000  }
.LBB2_4:
0x41: {  	[tilespmem:s15], [sflag:$0x2] =	stream.indirect.gather [hbm4b:s4+s13], $0x80, s24, s13, $0xb8;
	[tilespmem:$0x1A040] =	vst v63  }
0x42: {  	s24 =	smov.u32 s23  }
0x43: {  	p0 =	sne.s32 s23, $0x3800;
	s23 =	sadd.s32 $0x400, s23;
	_ =	swait.ge [sflag:s11], $0x4000  }
0x44: {  	s24 =	sshra.s32 s24, $0x2;
	[sflag:s11] =	ssyncset.done $0x0  }
0x45: {  	s25 =	sadd.s32 $0x1000, s24;
	[sflag:s11] =	ssyncadd.s32 $0xFFFFC000  }
0x46: {  	[spmem:s1] =	stream.indirect.scatter.add.f32 [tilespmem:s14], [sflag:$0x3], $0x80, s25, s13, $0xb8;
	[tilespmem:$0x1A040] =	vst v63  }
0x47: {  	_ =	swait.ge [sflag:s17], $0x4000  }
0x48: {  	[sflag:s17] =	ssyncset.done $0x0  }
0x49: {  	s25 =	sadd.s32 $0x100, s24;
	[sflag:s17] =	ssyncadd.s32 $0xFFFFC000  }
0x4a: {  	[tilespmem:s14], [sflag:$0x1] =	stream.indirect.gather [hbm4b:s4+s13], $0x80, s25, s13, $0xb8;
	[tilespmem:$0x1A040] =	vst v63  }
0x4b: {  	_ =	swait.ge [sflag:s12], $0x4000  }
0x4c: {  	[sflag:s12] =	ssyncset.done $0x0  }
.Ltmp1:
0x4d: {  	s25 =	sadd.s32 $0x1080, s24;
	[sflag:s12] =	ssyncadd.s32 $0xFFFFC000;
	(pc) =	sbr.rel @p0 .LBB2_4-.Ltmp1, $4  }
0x4e: {  	[spmem:s1] =	stream.indirect.scatter.add.f32 [tilespmem:s15], [sflag:$0x3], $0x80, s25, s13, $0xb8;
	[tilespmem:$0x1A040] =	vst v63  }
0x4f: {  	_ =	swait.ge [sflag:s17], $0x4000  }
0x50: {  	[sflag:s17] =	ssyncset.done $0x0  }
0x51: {  	s24 =	sadd.s32 $0x180, s24;
	[sflag:s17] =	ssyncadd.s32 $0xFFFFC000  }
0x52: {  	[tilespmem:s15], [sflag:$0x2] =	stream.indirect.gather [hbm4b:s4+s13], $0x80, s24, s13, $0xb8;
	[tilespmem:$0x1A040] =	vst v63  }
0x53: {  	_ =	swait.ge [sflag:s11], $0x4000  }
0x54: {  	[sflag:s11] =	ssyncset.done $0x0  }
0x55: {  	[sflag:s11] =	ssyncadd.s32 $0xFFFFC000  }
0x56: {  	[spmem:s1] =	stream.indirect.scatter.add.f32 [tilespmem:s14], [sflag:$0x3], $0x80, s18, s13, $0xb8;
	[tilespmem:$0x1A040] =	vst v63  }
0x57: {  	_ =	swait.ge [sflag:s17], $0x4000  }
0x58: {  	[sflag:s17] =	ssyncset.done $0x0  }
0x59: {  	[sflag:s17] =	ssyncadd.s32 $0xFFFFC000  }
0x5a: {  	_ =	swait.ge [sflag:s12], $0x4000  }
0x5b: {  	[sflag:s12] =	ssyncset.done $0x0  }
0x5c: {  	[sflag:s12] =	ssyncadd.s32 $0xFFFFC000  }
0x5d: {  	[spmem:s1] =	stream.indirect.scatter.add.f32 [tilespmem:s15], [sflag:$0x3], $0x80, s19, s13, $0xb8;
	[tilespmem:$0x1A040] =	vst v63  }
0x5e: {  	_ =	swait.ge [sflag:s17], $0x4000  }
0x5f: {  	s22 =	sadd.s32 $0x1, s22;
	[sflag:s17] =	ssyncset.done $0x0  }
0x60: {  	p0 =	sne.s32 s22, s9;
	[sflag:s17] =	ssyncadd.s32 $0xFFFFC000  }
.Ltmp2:
0x61: {  	[bflag:$0x0] =	sbarrier.arrive $0xFFFF;
	(pc) =	sbr.rel @p0 .LBB2_1-.Ltmp2, $4  }
0x62: {  	[hbm:s8], [sflag:s20] =	dma.local [spmem:s21], $0x1000  }
0x63: {  	_ =	swait.ge [sflag:s17], $0x1000  }
0x64: {  	[sflag:s17] =	ssyncset.done $0x0  }
0x65: {  	[sflag:s17] =	ssyncadd.s32 $0xFFFFF000  }
0x66: {  	_ =	sfence.sel $0x180000  }
0x67: {  	[bflag:$0x0] =	sbarrier.arrive $0xFFFF  }
0x68: {  	p0 =	sne.s32 s3, $0x0;
	_ =	strace $0x9000004A  }
0x69: {  	s0 =	sadd.s32 @!p0 $0x100000, s0;
	[bflag:$0x2] =	sbarrier.arrive $0xFFFF  }
0x6a: {  	[sflag:s0] =	ssyncadd.tile.s32 @!p0 $0x1;
	_ =	shalt  }
.Lfunc_end2:
_tile_overlayer_lowered:
.L_overlay_start_2:
0x6b: {  	(tag) =	ssettag $0x2  }
0x6c: {  	s0 =	rddreg [dreg:$0x0];
	s2 =	stileid.u32  }
0x6d: {  	s1 =	rddreg [dreg:$0x1];
	p0 =	sne.s32 s2, $0x0  }
0x6e: {  	s3 =	rddreg [dreg:$0x2];
	[bflag:$0x3] =	sbarrier.arrive $0xFFFF;
	s2 =	simm.s32 @!p0 $0x1C03  }
0x6f: {  	[timem:s3], [sflag:s2] =	dma.local @!p0 [hbm:s0], s1  }
0x70: {  	s0 =	simm.s32 @!p0 $0x3  }
0x71: {  	_ =	swait.ge @!p0 [sflag:s0], s1  }
0x72: {  	s1 =	ssub.s32 @!p0 $0x0, s1;
	[sflag:s0] =	ssyncset.done @!p0 $0x0  }
0x73: {  	[sflag:s0] =	ssyncadd.s32 @!p0 s1  }
0x74: {  	[bflag:$0x3] =	sbarrier.arrive $0xFFFF  }
0x75: {  	_ =	shalt  }

// kernel: kernel.7.cloned.1.call-start
scs
__scs_entry_jumppad:
0x0: {  	(pc) =	sbr.rel $0x88, $3  }
0x1: {  	(tag) =	ssettag $0x0;
	lr =	simm.s32 $0x1  }
0x2: {  	[smem:$0x3F98] =	sst lr;
	_ =	strace $0xD0000000  }
0x3: {  	_ = 	snop  }
0x4: {  	_ = 	snop  }
0x5: {  	_ = 	snop  }
0x6: {  	_ = 	snop  }
0x7: {  	_ = 	snop  }
__scs_overlays_trampoline_lowered:
0x8: {  	[smem:$0x3FA7] =	sst s0  }
0x9: {  	[smem:$0x3FA8] =	sst s1  }
0xa: {  	[smem:$0x3FA9] =	sst s2  }
0xb: {  	[smem:$0x3FAA] =	sst s3  }
0xc: {  	[smem:$0x3FAB] =	sst s4  }
0xd: {  	[smem:$0x3FAC] =	sst s5  }
0xe: {  	[smem:$0x3FAD] =	sst s6  }
0xf: {  	[smem:$0x3FAE] =	sst s7  }
0x10: {  	[smem:$0x3FAF] =	sst s8  }
0x11: {  	[smem:$0x3FB0] =	sst s9;
	s0 =	simm.s32 @!p0 $0x0  }
0x12: {  	s1 =	sld [smem:$0x3F96];
	s0 =	simm.s32 @p0 $0x1  }
0x13: {  	[smem:$0x3FB1] =	sst s0;
	s0 =	simm.s32 @!p1 $0x0  }
0x14: {  	s2 =	sld [smem:$0x3F95];
	s0 =	simm.s32 @p1 $0x1  }
0x15: {  	[smem:$0x3FB2] =	sst s0;
	s0 =	simm.s32 @!p2 $0x0  }
0x16: {  	s3 =	sld [smem:$0x3FDB];
	s0 =	simm.s32 @p2 $0x1  }
0x17: {  	s4 =	simm.s32 $0x1BF5;
	[smem:$0x3FB4] =	sst s0  }
0x18: {  	s0 =	sld [smem:$0x3F97];
	_ =	swait.ge [sflag:s4], $0x0  }
0x19: {  	s7 =	sld [smem:$0x3F98]  }
0x1a: {  	s8 =	sadd.s32 $0xFFFFE003, lr  }
0x1b: {  	s9 =	sadd.s32 $0xFFFFFEF7, lr;
	s5 =	simm.s32 $0xFFFFFFFF;
	p2 =	slt.u32 s8, $0xFFFFF086  }
0x1c: {  	p1 =	slt.u32 s9, $0xF7A;
	s5 =	simm.s32 @!p2 $0x0  }
0x1d: {  	s5 =	simm.s32 @p1 $0x1;
	p0 =	seq.s32 s7, s2  }
0x1e: {  	s7 =	smul.u32 @!p0 $0xF7A, s2;
	p2 =	seq.s32 @!p0 s5, $0x0  }
0x1f: {  	s9 =	smul.u32 $0xF7A, s1;
	s8 =	simm.s32 @!p0 $0x1BF5;
	p2 =	por !p2, p0  }
0x20: {  	[sflag:s8] =	ssyncset.s32 @!p0 $0xFFFFF086;
	s6 =	sadd.s32 @!p0 s3, s7;
	s7 =	simm.s32 @!p0 $0x108  }
0x21: {  	s3 =	sadd.s32 s3, s9;
	s6 =	sadd.s32 @!p0 $0x88, s6;
	s7 =	simm.s32 @p2 $0x1082  }
0x22: {  	[simem:s7], [sflag:s8] =	dma.local @!p0 [hbm:s6], $0xF7A  }
0x23: {  	s9 =	sor.u32 $0xD0000000, s2;
	s6 =	simm.s32 $0x108;
	_ =	swait.ge @!p0 [sflag:s8], $0x0  }
0x24: {  	s3 =	sadd.s32 $0x88, s3;
	s6 =	simm.s32 @!p1 $0x1082;
	[sflag:s4] =	ssyncset.s32 $0xFFFFF086  }
0x25: {  	[simem:s6], [sflag:s4] =	dma.local [hbm:s3], $0xF7A  }
0x26: {  	[smem:$0x3F98] =	sst s1;
	(tag) =	ssettag s2;
	_ =	strace s9  }
0x27: {  	s1 =	sld [smem:$0x3FA8]  }
0x28: {  	s2 =	sld [smem:$0x3FA9]  }
0x29: {  	s4 =	sld [smem:$0x3FAB]  }
0x2a: {  	p0 =	seq.s32 s5, $0x0;
	s5 =	sld [smem:$0x3FAC]  }
0x2b: {  	s6 =	sld [smem:$0x3FAD]  }
0x2c: {  	s7 =	sld [smem:$0x3FAE]  }
0x2d: {  	s3 =	simm.s32 $0x108;
	s8 =	sld [smem:$0x3FAF]  }
0x2e: {  	s3 =	simm.s32 @!p0 $0x1082;
	s9 =	sld [smem:$0x3FB0]  }
0x2f: {  	lr =	sadd.s32 s0, s3;
	s0 =	sld [smem:$0x3FA7]  }
0x30: {  	s3 =	sld [smem:$0x3FAA]  }
0x31: {  	[smem:$0x3FB3] =	sst s10  }
0x32: {  	s10 =	sld [smem:$0x3FB1];
	_ =	sdelay $0x3  }
0x33: {  	p0 =	seq.s32 s10, $0x1;
	s10 =	sld [smem:$0x3FB3];
	_ =	sdelay $0x3  }
0x34: {  	[smem:$0x3FB3] =	sst s10  }
0x35: {  	s10 =	sld [smem:$0x3FB2];
	_ =	sdelay $0x3  }
0x36: {  	p1 =	seq.s32 s10, $0x1;
	s10 =	sld [smem:$0x3FB3];
	_ =	sdelay $0x3  }
0x37: {  	[smem:$0x3FB3] =	sst s10  }
0x38: {  	s10 =	sld [smem:$0x3FB4]  }
0x39: {  	_ = 	snop;
	(pc) =	sbr.ind lr, $3  }
0x3a: {  	_ = 	snop  }
0x3b: {  	_ = 	snop  }
0x3c: {  	p2 =	seq.s32 s10, $0x1;
	s10 =	sld [smem:$0x3FB3]  }
0x3d: {  	_ =	shalt  }
0x3e: {  	_ =	shalt  }
0x3f: {  	_ =	shalt  }
0x40: {  	_ =	shalt  }
0x41: {  	_ =	shalt  }
0x42: {  	_ =	shalt  }
0x43: {  	_ =	shalt  }
0x44: {  	_ =	shalt  }
0x45: {  	_ =	shalt  }
0x46: {  	_ =	shalt  }
0x47: {  	_ =	shalt  }
0x48: {  	_ =	shalt  }
0x49: {  	_ =	shalt  }
0x4a: {  	_ =	shalt  }
0x4b: {  	_ =	shalt  }
0x4c: {  	_ =	shalt  }
0x4d: {  	_ =	shalt  }
0x4e: {  	_ =	shalt  }
0x4f: {  	_ =	shalt  }
0x50: {  	_ =	shalt  }
0x51: {  	_ =	shalt  }
0x52: {  	_ =	shalt  }
0x53: {  	_ =	shalt  }
0x54: {  	_ =	shalt  }
0x55: {  	_ =	shalt  }
0x56: {  	_ =	shalt  }
0x57: {  	_ =	shalt  }
0x58: {  	_ =	shalt  }
0x59: {  	_ =	shalt  }
0x5a: {  	_ =	shalt  }
0x5b: {  	_ =	shalt  }
0x5c: {  	_ =	shalt  }
0x5d: {  	_ =	shalt  }
0x5e: {  	_ =	shalt  }
0x5f: {  	_ =	shalt  }
0x60: {  	_ =	shalt  }
0x61: {  	_ =	shalt  }
0x62: {  	_ =	shalt  }
0x63: {  	_ =	shalt  }
0x64: {  	_ =	shalt  }
0x65: {  	_ =	shalt  }
0x66: {  	_ =	shalt  }
0x67: {  	_ =	shalt  }
0x68: {  	_ =	shalt  }
0x69: {  	_ =	shalt  }
0x6a: {  	_ =	shalt  }
0x6b: {  	_ =	shalt  }
0x6c: {  	_ =	shalt  }
0x6d: {  	_ =	shalt  }
0x6e: {  	_ =	shalt  }
0x6f: {  	_ =	shalt  }
0x70: {  	_ =	shalt  }
0x71: {  	_ =	shalt  }
0x72: {  	_ =	shalt  }
0x73: {  	_ =	shalt  }
0x74: {  	_ =	shalt  }
0x75: {  	_ =	shalt  }
0x76: {  	_ =	shalt  }
0x77: {  	_ =	shalt  }
0x78: {  	_ =	shalt  }
0x79: {  	_ =	shalt  }
0x7a: {  	_ =	shalt  }
0x7b: {  	_ =	shalt  }
0x7c: {  	_ =	shalt  }
0x7d: {  	_ =	shalt  }
0x7e: {  	_ =	shalt  }
0x7f: {  	_ =	shalt  }
0x80: {  	_ =	shalt  }
0x81: {  	_ =	shalt  }
0x82: {  	_ =	shalt  }
0x83: {  	_ =	shalt  }
0x84: {  	_ =	shalt  }
0x85: {  	_ =	shalt  }
0x86: {  	_ =	shalt  }
0x87: {  	_ =	shalt  }
.Lfunc_end0:
.L_simem_size_0:
called_computation_lowered:
.L_overlay_start_0:
0x88: {  	s2 =	sld [smem:$0x3FD9]  }
0x89: {  	s3 =	sld [smem:$0x3FFE];
	_ =	sdelay $0x1  }
0x8a: {  	s1 =	srdreg.scid  }
0x8b: {  	s0 =	sand.u32 $0x1, s1  }
0x8c: {  	s16 =	sshll.u32 s0, $0xA;
	s2 =	sadd.s32 s3, s2  }
0x8d: {  	s2 =	sadd.s32 s2, s16  }
0x8e: {  	[smem:$0x3FBF] =	sst s2  }
0x8f: {  	_ = 	snop  }
0x90: {  	(tm) =	ssettm $0x1  }
0x91: {  	s17 =	sld [smem:$0x3FFB];
	_ =	sdelay $0x3  }
0x92: {  	_ =	strace s17  }
0x93: {  	s2 =	sld [smem:$0x3FFC];
	_ =	sdelay $0x3  }
0x94: {  	_ =	strace s2  }
0x95: {  	s2 =	sld [smem:$0x3FFD];
	_ =	sdelay $0x3  }
0x96: {  	_ =	strace s2  }
0x97: {  	_ =	strace $0x8FFFFFFF  }
0x98: {  	s18 =	sld [smem:$0x3FDB];
	_ =	sdelay $0x1  }
0x99: {  	s19 =	simm.s32 $_scs_section_size  }
0x9a: {  	s4 =	simm.s32 $_size__tile_overlayer_lowered;
	s5 =	simm.s32 $_tile_overlayer_lowered  }
0x9b: {  	s22 =	simm.s32 $0x1BFF;
	s21 =	sshll.u32 s5, $0x1;
	s2 =	sadd.s32 s19, s18  }
0x9c: {  	s6 =	simm.s32 $0x0;
	s20 =	sshll.u32 s4, $0x1;
	s4 =	sadd.s32 s21, s2  }
0x9d: {  	[timem:s6], [sflag:s22] =	dma.local [hbm:s4], s20  }
0x9e: {  	_ =	swait.ge [sflag:s22], s20  }
0x9f: {  	s3 =	ssub.s32 $0x0, s20;
	[sflag:s22] =	ssyncset.done $0x0  }
0xa0: {  	[sflag:s22] =	ssyncadd.s32 s3;
	_ =	sdelay $0x1  }
0xa1: {  	s23 =	simm.s32 $0x1B8B  }
0xa2: {  	_ =	swait.ge [sflag:s23], $0x1  }
0xa3: {  	[sflag:s23] =	ssyncset.done $0x0  }
0xa4: {  	s25 =	simm.s32 $0x1B8E;
	s24 =	sld [smem:$0x3FFE];
	[sflag:s23] =	ssyncadd.s32 $0xFFFFFFFF  }
0xa5: {  	s26 =	simm.s32 $execute0_lowered;
	[smem:$0x3FD2] =	sst s25  }
0xa6: {  	s4 =	sshll.u32 s26, $0x1;
	_ =	strace $0x80000046;
	[dreg:$0x1] =	wrdreg $0xFFFFFFFF  }
0xa7: {  	s28 =	simm.s32 $_size_execute0_lowered;
	s2 =	sadd.s32 s2, s4;
	[dreg:$0x0] =	wrdreg $0x0  }
0xa8: {  	s4 =	sshll.u32 s28, $0x1;
	[dreg:$0x2] =	wrdreg s2  }
0xa9: {  	[dreg:$0x3] =	wrdreg s4  }
0xaa: {  	[dreg:$0x4] =	wrdreg $0xC0  }
0xab: {  	_ =	task [dreg:s6], $0x5FFFF  }
0xac: {  	[dreg:$0x1] =	wrdreg $0xFFFFFFFF  }
0xad: {  	[dreg:$0x0] =	wrdreg $0x60  }
0xae: {  	[dreg:$0x2] =	wrdreg s24  }
0xaf: {  	[dreg:$0x3] =	wrdreg $0x120000  }
0xb0: {  	[dreg:$0x4] =	wrdreg $0x9  }
0xb1: {  	_ =	task.clear_ibuf [dreg:s6], $0x5FFFF;
	_ =	strace $0x90000046  }
0xb2: {  	s29 =	simm.s32 $0x9;
	_ =	strace $0x80000048  }
0xb3: {  	_ =	swait.ge [sflag:s29], $0x1  }
0xb4: {  	[sflag:s29] =	ssyncadd.s32 $0xFFFFFFFF  }
0xb5: {  	_ =	strace $0x90000048  }
0xb6: {  	_ =	sfence  }
0xb7: {  	s30 =	sld [smem:$0x0];
	_ =	sdelay $0x2  }
0xb8: {  	s31 =	sshll.u32 s1, $0xD;
	s1 =	sshrl.u32 s1, $0x2  }
0xb9: {  	s3 =	sand.u32 $0x4000, s31;
	s1 =	sadd.s32 s1, s30  }
0xba: {  	s0 =	sor.u32 s3, s0;
	s1 =	sshll.u32 s1, $0x11  }
0xbb: {  	s0 =	sor.u32 s1, s0  }
0xbc: {  	s0 =	sadd.s32 $0x8F2B, s0  }
0xbd: {  	[sflag:s0] =	ssyncadd.remote.s32 $0x1  }
0xbe: {  	_ =	sfence.sel $0xFFFF  }
0xbf: {  	[dreg:$0x0] =	wrdreg $0xFFFFFFFF;
	(pc) =	sbr.abs _section_cstart, $3  }
0xc0: {  	[dreg:$0x1] =	wrdreg $0xFFFFFFFF  }
0xc1: {  	_ =	task.clear_ibuf [dreg:s6], $0x2FFFF;
	_ =	strace $0x9FFFFFFF  }
0xc2: {  	(tm) =	ssettm $0x7FFFFFFF  }
0xc3: {  	_ =	shalt  }
tec
execute0_lowered:
.L_overlay_start_1:
0x0: {  	(tag) =	ssettag $0x1  }
0x1: {  	s5 =	rddreg [dreg:$0x0]  }
0x2: {  	s1 =	rddreg [dreg:$0x1]  }
0x3: {  	s0 =	rddreg [dreg:$0x2];
	s2 =	simm.s32 $0x0;
	s3 =	srdreg.scid  }
0x4: {  	s12 =	simm.s32 $0x2;
	s13 =	simm.s32 $0x80;
	s14 =	simm.s32 $0x2000  }
0x5: {  	s15 =	simm.s32 $0x6000;
	s16 =	simm.s32 $0xA000;
	s17 =	simm.s32 $0x3  }
0x6: {  	s18 =	simm.s32 $0x1F00;
	s19 =	simm.s32 $0x1F80;
	s22 =	simm.s32 $0x0  }
0x7: {  	[smem:$0x7FF] =	sst s2;
	s6 =	sand.u32 $0x1, s3;
	s4 =	sadd.s32 $0x2E00, s5  }
0x8: {  	s3 =	stileid.u32;
	_ =	strace $0x80000047;
	s7 =	smul.u32 $0x80400, s6  }
0x9: {  	s8 =	sshll.u32 s6, $0xD;
	s9 =	sshll.u32 s3, $0x9;
	s10 =	sshll.u32 s3, $0xF  }
0xa: {  	s6 =	ssub.s32 $0x2, s6;
	s20 =	sshll.u32 s3, $0x6;
	s8 =	sor.u32 s9, s8  }
0xb: {  	s31 =	sshrl.u32 s6, $0x1;
	s20 =	sor.u32 $0x1C03, s20;
	s7 =	sadd.s32 s10, s7  }
0xc: {  	s8 =	sadd.s32 s8, s5;
	s9 =	ssub.s32 s6, s31;
	s7 =	sshrl.u32 s7, $0x3  }
0xd: {  	s6 =	sadd.s32 $0x16E00, s8;
	s9 =	smax.u32 s9, $0x1;
	s11 =	sadd.s32 s7, s5  }
0xe: {  	s5 =	sadd.s32 $0x12E00, s8;
	s7 =	sadd.s32 s10, s1;
	s10 =	simm.s32 $0x1000  }
0xf: {  	v0 =	vimm.f32 $0.0e+00;
	s8 =	sadd.s32 $0x1AE00, s11;
	s11 =	simm.s32 $0x1;
	s21 =	sshrl.u32 s7, $0x3  }
.LBB2_1:
0x10: {  	[tilespmem:s2], [sflag:$0x1] =	stream.linear.gather [hbm4b:s5+s2], $0x1000, $0x38;
	[tilespmem:$0x1A040] =	vst v63  }
0x11: {  	s23 =	simm.s32 $0x0;
	s24 =	simm.s32 $0x200  }
0x12: {  	[tilespmem:s10], [sflag:$0x2] =	stream.linear.gather [hbm4b:s6+s2], $0x1000, $0x38;
	[tilespmem:$0x1A040] =	vst v63  }
.LBB2_2:
0x13: {  	p0 =	sne.s32 s24, $0x1FE00;
	[tilespmem:s23+$0xA070] =	vst v0  }
0x14: {  	[tilespmem:s23+$0xA000] =	vst v0  }
0x15: {  	[tilespmem:s23+$0xA010] =	vst v0  }
.Ltmp0:
0x16: {  	[tilespmem:s23+$0xA020] =	vst v0;
	(pc) =	sbr.rel @p0 .LBB2_2-.Ltmp0, $4  }
0x17: {  	[tilespmem:s23+$0xA030] =	vst v0  }
0x18: {  	[tilespmem:s23+$0xA040] =	vst v0  }
0x19: {  	[tilespmem:s23+$0xA050] =	vst v0  }
0x1a: {  	[tilespmem:s23+$0xA060] =	vst v0;
	s23 =	sshra.s32 s24, $0x2;
	s24 =	sadd.s32 $0x200, s24  }
0x1b: {  	[tilespmem:s23+$0xA070] =	vst v0  }
0x1c: {  	[tilespmem:s23+$0xA000] =	vst v0  }
0x1d: {  	[tilespmem:s23+$0xA010] =	vst v0  }
0x1e: {  	[tilespmem:s23+$0xA020] =	vst v0  }
0x1f: {  	[tilespmem:s23+$0xA030] =	vst v0  }
0x20: {  	[tilespmem:s23+$0xA040] =	vst v0  }
0x21: {  	[tilespmem:s23+$0xA050] =	vst v0  }
0x22: {  	[tilespmem:s23+$0xA060] =	vst v0  }
0x23: {  	_ =	swait.ge [sflag:s11], $0x1000  }
0x24: {  	[sflag:s11] =	ssyncset.done $0x0  }
0x25: {  	[sflag:s11] =	ssyncadd.s32 $0xFFFFF000  }
0x26: {  	_ =	swait.ge [sflag:s12], $0x1000  }
0x27: {  	[sflag:s12] =	ssyncset.done $0x0  }
0x28: {  	s28 =	simm.s32 $0x0;
	[sflag:s12] =	ssyncadd.s32 $0xFFFFF000  }
0x29: {  	[tilespmem:s14], [sflag:$0x1] =	stream.indirect.gather [hbm4b:s4+s13], $0x80, s28, s13, $0xb8;
	[tilespmem:$0x1A040] =	vst v63  }
0x2a: {  	_ = 	snop  }
0x2b: {  	[tilespmem:s15], [sflag:$0x2] =	stream.indirect.gather [hbm4b:s4+s13], $0x80, s13, s13, $0xb8;
	[tilespmem:$0x1A040] =	vst v63  }
0x2c: {  	_ = 	snop  }
0x2d: {  	[spmem:s7] =	stream.linear.scatter [tilespmem:s16], [sflag:$0x3], $0x8000, $0x38;
	[tilespmem:$0x1A040] =	vst v63  }
0x2e: {  	_ =	swait.ge [sflag:s17], $0x8000  }
0x2f: {  	[sflag:s17] =	ssyncset.done $0x0  }
0x30: {  	[sflag:s17] =	ssyncadd.s32 $0xFFFF8000  }
0x31: {  	[bflag:$0x0] =	sbarrier.arrive $0xFFFF  }
0x32: {  	_ =	swait.ge [sflag:s11], $0x4000  }
0x33: {  	[sflag:s11] =	ssyncset.done $0x0  }
0x34: {  	s29 =	simm.s32 $0x1000;
	[sflag:s11] =	ssyncadd.s32 $0xFFFFC000  }
0x35: {  	[spmem:s1] =	stream.indirect.scatter.add.f32 [tilespmem:s14], [sflag:$0x3], $0x80, s29, s13, $0xb8;
	[tilespmem:$0x1A040] =	vst v63  }
0x36: {  	_ =	swait.ge [sflag:s17], $0x4000  }
0x37: {  	[sflag:s17] =	ssyncset.done $0x0  }
0x38: {  	s30 =	simm.s32 $0x100;
	[sflag:s17] =	ssyncadd.s32 $0xFFFFC000  }
0x39: {  	[tilespmem:s14], [sflag:$0x1] =	stream.indirect.gather [hbm4b:s4+s13], $0x80, s30, s13, $0xb8;
	[tilespmem:$0x1A040] =	vst v63  }
0x3a: {  	_ =	swait.ge [sflag:s12], $0x4000  }
0x3b: {  	[sflag:s12] =	ssyncset.done $0x0  }
0x3c: {  	s31 =	simm.s32 $0x1080;
	[sflag:s12] =	ssyncadd.s32 $0xFFFFC000  }
0x3d: {  	[spmem:s1] =	stream.indirect.scatter.add.f32 [tilespmem:s15], [sflag:$0x3], $0x80, s31, s13, $0xb8;
	[tilespmem:$0x1A040] =	vst v63  }
0x3e: {  	_ =	swait.ge [sflag:s17], $0x4000  }
0x3f: {  	[sflag:s17] =	ssyncset.done $0x0  }
0x40: {  	s23 =	simm.s32 $0x400;
	s24 =	simm.s32 $0x180;
	[sflag:s17] =	ssyncadd.s32 $0xFFFFC000  }
.LBB2_4:
0x41: {  	[tilespmem:s15], [sflag:$0x2] =	stream.indirect.gather [hbm4b:s4+s13], $0x80, s24, s13, $0xb8;
	[tilespmem:$0x1A040] =	vst v63  }
0x42: {  	s24 =	smov.u32 s23  }
0x43: {  	p0 =	sne.s32 s23, $0x3800;
	s23 =	sadd.s32 $0x400, s23;
	_ =	swait.ge [sflag:s11], $0x4000  }
0x44: {  	s24 =	sshra.s32 s24, $0x2;
	[sflag:s11] =	ssyncset.done $0x0  }
0x45: {  	s25 =	sadd.s32 $0x1000, s24;
	[sflag:s11] =	ssyncadd.s32 $0xFFFFC000  }
0x46: {  	[spmem:s1] =	stream.indirect.scatter.add.f32 [tilespmem:s14], [sflag:$0x3], $0x80, s25, s13, $0xb8;
	[tilespmem:$0x1A040] =	vst v63  }
0x47: {  	_ =	swait.ge [sflag:s17], $0x4000  }
0x48: {  	[sflag:s17] =	ssyncset.done $0x0  }
0x49: {  	s25 =	sadd.s32 $0x100, s24;
	[sflag:s17] =	ssyncadd.s32 $0xFFFFC000  }
0x4a: {  	[tilespmem:s14], [sflag:$0x1] =	stream.indirect.gather [hbm4b:s4+s13], $0x80, s25, s13, $0xb8;
	[tilespmem:$0x1A040] =	vst v63  }
0x4b: {  	_ =	swait.ge [sflag:s12], $0x4000  }
0x4c: {  	[sflag:s12] =	ssyncset.done $0x0  }
.Ltmp1:
0x4d: {  	s25 =	sadd.s32 $0x1080, s24;
	[sflag:s12] =	ssyncadd.s32 $0xFFFFC000;
	(pc) =	sbr.rel @p0 .LBB2_4-.Ltmp1, $4  }
0x4e: {  	[spmem:s1] =	stream.indirect.scatter.add.f32 [tilespmem:s15], [sflag:$0x3], $0x80, s25, s13, $0xb8;
	[tilespmem:$0x1A040] =	vst v63  }
0x4f: {  	_ =	swait.ge [sflag:s17], $0x4000  }
0x50: {  	[sflag:s17] =	ssyncset.done $0x0  }
0x51: {  	s24 =	sadd.s32 $0x180, s24;
	[sflag:s17] =	ssyncadd.s32 $0xFFFFC000  }
0x52: {  	[tilespmem:s15], [sflag:$0x2] =	stream.indirect.gather [hbm4b:s4+s13], $0x80, s24, s13, $0xb8;
	[tilespmem:$0x1A040] =	vst v63  }
0x53: {  	_ =	swait.ge [sflag:s11], $0x4000  }
0x54: {  	[sflag:s11] =	ssyncset.done $0x0  }
0x55: {  	[sflag:s11] =	ssyncadd.s32 $0xFFFFC000  }
0x56: {  	[spmem:s1] =	stream.indirect.scatter.add.f32 [tilespmem:s14], [sflag:$0x3], $0x80, s18, s13, $0xb8;
	[tilespmem:$0x1A040] =	vst v63  }
0x57: {  	_ =	swait.ge [sflag:s17], $0x4000  }
0x58: {  	[sflag:s17] =	ssyncset.done $0x0  }
0x59: {  	[sflag:s17] =	ssyncadd.s32 $0xFFFFC000  }
0x5a: {  	_ =	swait.ge [sflag:s12], $0x4000  }
0x5b: {  	[sflag:s12] =	ssyncset.done $0x0  }
0x5c: {  	[sflag:s12] =	ssyncadd.s32 $0xFFFFC000  }
0x5d: {  	[spmem:s1] =	stream.indirect.scatter.add.f32 [tilespmem:s15], [sflag:$0x3], $0x80, s19, s13, $0xb8;
	[tilespmem:$0x1A040] =	vst v63  }
0x5e: {  	_ =	swait.ge [sflag:s17], $0x4000  }
0x5f: {  	s22 =	sadd.s32 $0x1, s22;
	[sflag:s17] =	ssyncset.done $0x0  }
0x60: {  	p0 =	sne.s32 s22, s9;
	[sflag:s17] =	ssyncadd.s32 $0xFFFFC000  }
.Ltmp2:
0x61: {  	[bflag:$0x0] =	sbarrier.arrive $0xFFFF;
	(pc) =	sbr.rel @p0 .LBB2_1-.Ltmp2, $4  }
0x62: {  	[hbm:s8], [sflag:s20] =	dma.local [spmem:s21], $0x1000  }
0x63: {  	_ =	swait.ge [sflag:s17], $0x1000  }
0x64: {  	[sflag:s17] =	ssyncset.done $0x0  }
0x65: {  	[sflag:s17] =	ssyncadd.s32 $0xFFFFF000  }
0x66: {  	_ =	sfence.sel $0x180000  }
0x67: {  	[bflag:$0x0] =	sbarrier.arrive $0xFFFF  }
0x68: {  	p0 =	sne.s32 s3, $0x0;
	_ =	strace $0x90000047  }
0x69: {  	s0 =	sadd.s32 @!p0 $0x100000, s0;
	[bflag:$0x2] =	sbarrier.arrive $0xFFFF  }
0x6a: {  	[sflag:s0] =	ssyncadd.tile.s32 @!p0 $0x1;
	_ =	shalt  }
.Lfunc_end2:
_tile_overlayer_lowered:
.L_overlay_start_2:
0x6b: {  	(tag) =	ssettag $0x2  }
0x6c: {  	s0 =	rddreg [dreg:$0x0];
	s2 =	stileid.u32  }
0x6d: {  	s1 =	rddreg [dreg:$0x1];
	p0 =	sne.s32 s2, $0x0  }
0x6e: {  	s3 =	rddreg [dreg:$0x2];
	[bflag:$0x3] =	sbarrier.arrive $0xFFFF;
	s2 =	simm.s32 @!p0 $0x1C03  }
0x6f: {  	[timem:s3], [sflag:s2] =	dma.local @!p0 [hbm:s0], s1  }
0x70: {  	s0 =	simm.s32 @!p0 $0x3  }
0x71: {  	_ =	swait.ge @!p0 [sflag:s0], s1  }
0x72: {  	s1 =	ssub.s32 @!p0 $0x0, s1;
	[sflag:s0] =	ssyncset.done @!p0 $0x0  }
0x73: {  	[sflag:s0] =	ssyncadd.s32 @!p0 s1  }
0x74: {  	[bflag:$0x3] =	sbarrier.arrive $0xFFFF  }
0x75: {  	_ =	shalt  }

</sc_bundles>
